<compile_context>
chip_gen: v7x
topology: tpu7x:2x2x1
jax: 0.10.2.dev20260603
libtpu: 0.0.44.dev20260713+nightly
codegen_flags: <defaults>
</compile_context>

<pallas_src>
import functools

import jax
import jax.numpy as jnp
from jax import lax
from jax.experimental import pallas as pl
from jax.experimental.pallas import tpu as pltpu
from jax.experimental.pallas import tpu_sc as plsc

_J = 15
_K = 8
_D = 3


def _mask_body(f_ref, o_ref, g_ref, e_ref):
    jd = _J * _D
    n_dim, r_dim = g_ref.shape

    @pl.when(pl.program_id(0) == 0)
    def _init_expansion_consts():
        rr_n = lax.broadcasted_iota(jnp.int32, (n_dim, r_dim), 1) // jd
        nn = lax.broadcasted_iota(jnp.int32, (n_dim, r_dim), 0)
        g_ref[...] = (rr_n == nn).astype(jnp.float32)
        rr_j = lax.broadcasted_iota(jnp.int32, (_J, r_dim), 1) % jd // _D
        jj = lax.broadcasted_iota(jnp.int32, (_J, r_dim), 0)
        e_ref[...] = (rr_j == jj).astype(jnp.float32)

    f = f_ref[0]
    n = f.shape[-1]
    m = jnp.max(f, axis=(1, 2), keepdims=True)
    ex = jnp.exp(f - m)
    z = jnp.sum(ex, axis=(1, 2), keepdims=True)
    s = jnp.sum(ex * (f - m), axis=(1, 2), keepdims=True)
    ent = (jnp.log(z) - s / z)[:, 0, 0, :]

    j_sub = lax.broadcasted_iota(jnp.int32, (_J, n), 0)
    acc = jnp.zeros((_J, n), jnp.float32)
    for r in range(1, _J):
        other = jnp.concatenate([ent[r:], ent[:r]], axis=0)
        wrap = j_sub >= (_J - r)
        beats = (other > ent) | ((other == ent) & wrap)
        acc = acc + beats.astype(jnp.float32)
    mask = (acc < float(_K)).astype(jnp.float32)

    t1 = jnp.dot(mask, g_ref[...], preferred_element_type=jnp.float32)
    lane_mask = jnp.sum(t1 * e_ref[...], axis=0, keepdims=True)
    o_ref[0] = jnp.broadcast_to(lane_mask, o_ref.shape[1:])


def kernel(joint_features, data, k):
    del k
    B, N, J, T, Dt = joint_features.shape
    C = data.shape[-1]
    R = N * J * _D
    feats_t = jnp.transpose(joint_features, (0, 2, 4, 3, 1))
    data_t = jnp.transpose(data, (0, 2, 1))

    mask8 = pl.pallas_call(
        _mask_body,
        grid=(B,),
        in_specs=[pl.BlockSpec((1, J, _D, T, N), lambda i: (i, 0, 0, 0, 0))],
        out_specs=pl.BlockSpec((1, 8, R), lambda i: (i, 0, 0)),
        out_shape=jax.ShapeDtypeStruct((B, 8, R), jnp.float32),
        scratch_shapes=[
            pltpu.VMEM((N, R), jnp.float32),
            pltpu.VMEM((J, R), jnp.float32),
        ],
        compiler_params=pltpu.CompilerParams(
            dimension_semantics=("arbitrary",),
        ),
    )(feats_t)

    mesh = plsc.VectorSubcoreMesh(core_axis_name="c", subcore_axis_name="s")

    @functools.partial(
        pl.kernel,
        mesh=mesh,
        out_type=jax.ShapeDtypeStruct((B, C, R), jnp.float32),
        scratch_types=[
            pltpu.VMEM((8, R), jnp.float32),
            pltpu.VMEM((8, R), jnp.float32),
        ],
    )
    def _sc_masked_copy(data_hbm, mask_hbm, out_hbm, dbuf, mbuf):
        wid = lax.axis_index("s") * 2 + lax.axis_index("c")
        for bb in range(2):
            b = wid * 2 + bb
            pltpu.sync_copy(mask_hbm.at[b], mbuf)

            def chunk(ch, carry):
                pltpu.sync_copy(data_hbm.at[b, pl.ds(ch * 8, 8)], dbuf)

                def col(i, c2):
                    sl = pl.ds(i * 16, 16)
                    mv = mbuf[0, sl]
                    for c in range(8):
                        dbuf[c, sl] = dbuf[c, sl] * mv
                    return c2

                lax.fori_loop(0, R // 16, col, 0)
                pltpu.sync_copy(dbuf, out_hbm.at[b, pl.ds(ch * 8, 8)])
                return carry

            lax.fori_loop(0, C // 8, chunk, 0)

    out_t = _sc_masked_copy(data_t, mask8)
    return jnp.transpose(out_t, (0, 2, 1))

# --- scband reference (transcript-rebuilt; emitter-appended) ---
"""Pipeline reference for scband-asym-former-51642686767352 (READ-ONLY COPY).

The authoritative reference and input builder live on the scoring server;
editing this copy changes nothing except your own understanding.
"""

import jax, jax.numpy as jnp
import numpy as np


def setup_inputs(seed: int = 0) -> dict:
    key = jax.random.key(seed)
    k1, k2 = jax.random.split(key)
    B, N, J, T, D, C = 64, 128, 15, 64, 3, 64
    joint_features = jax.random.normal(k1, (B, N, J, T, D), dtype=jnp.float32)
    data = jax.random.normal(k2, (B, N * J * D, C), dtype=jnp.float32)
    return {"joint_features": joint_features, "data": data, "k": 8}


def reference(joint_features, data, k):
    # compute_entropy: (B,N,J,T,D) -> (B,N,J)
    B, N, J, T, Dt = joint_features.shape
    D = 3  # hardcoded in original module
    feats_flat = joint_features.reshape(B, N, J, T * Dt)
    prob = jax.nn.softmax(feats_flat, axis=-1)
    entropy = -jnp.sum(prob * jnp.log(prob + 1e-8), axis=-1)  # (B,N,J)
    # top-k joint selection by entropy
    K = 8  # static top-k width; setup_inputs always passes k=8
    _, top_k_indices = jax.lax.top_k(entropy, K)  # (B,N,K) int32
    top_k_indices = top_k_indices + jnp.asarray(k, dtype=top_k_indices.dtype) * 0
    C = data.shape[-1]
    # select_joints_by_indices: gather along joint axis
    data_r = data.reshape(B, N, J, D, C)
    idx_b = jnp.broadcast_to(top_k_indices[:, :, :, None, None], (B, N, K, D, C))
    selected = jnp.take_along_axis(data_r, idx_b, axis=2)  # (B,N,K,D,C)
    # restore_selected_joints: scatter-overwrite back into zero tensor
    bi = jnp.arange(B)[:, None, None, None, None]
    ni = jnp.arange(N)[None, :, None, None, None]
    di = jnp.arange(D)[None, None, None, :, None]
    ci = jnp.arange(C)[None, None, None, None, :]
    ji = top_k_indices[:, :, :, None, None]
    restored = jnp.zeros((B, N, J, D, C), dtype=data.dtype).at[bi, ni, ji, di, ci].set(selected)
    return restored.reshape(B, N * J * D, C)

if __name__ == "__main__":
    import jax
    _d = setup_inputs()
    print(jax.jit(kernel)(*tuple(_d.values())))

</pallas_src>

<mosaic_0001>
#map = affine_map<(d0, d1) -> (0, 0, 0)>
module attributes {stable_mosaic.version = 14 : i64} {
  func.func @_sc_masked_copy(%arg0: i32, %arg1: i32, %arg2: memref<64x64x5760xf32, #tpu.memory_space<hbm>>, %arg3: memref<64x8x5760xf32, #tpu.memory_space<hbm>>, %arg4: memref<64x64x5760xf32, #tpu.memory_space<hbm>>, %arg5: memref<8x5760xf32, #tpu.memory_space<vmem>>, %arg6: memref<8x5760xf32, #tpu.memory_space<vmem>>) attributes {dimension_semantics = [#tpu.dimension_semantics<core_parallel>, #tpu.dimension_semantics<subcore_parallel>], iteration_bounds = array<i64: 2, 16>, scalar_prefetch = 0 : i64, scratch_operands = 2 : i64, tpu.core_type = #tpu.core_type<sc_vector_subcore>, window_params = [{transform_indices = #map}, {transform_indices = #map}, {transform_indices = #map}]} {
    %mul3A = arith.constant 2 : i32
    %mul3A_0 = arith.muli %arg1, %mul3A : i32
    %add3A = arith.addi %mul3A_0, %arg0 : i32
    %mul3A_1 = arith.constant 2 : i32
    %mul3A_2 = arith.muli %add3A, %mul3A_1 : i32
    %add3A_3 = arith.constant 0 : i32
    %add3A_4 = arith.addi %mul3A_2, %add3A_3 : i32
    "tpu.region"() ({
      %run_scoped3A = tpu.sem_alloc : memref<!tpu.dma_semaphore, #tpu.memory_space<semaphore_mem>>
      %dma_start3A = arith.constant 0 : i32
      %dma_start3A_20 = arith.constant 0 : i32
      %dma_start3A_21 = tpu.memref_slice %arg3[%add3A_4, %dma_start3A, %dma_start3A_20] : memref<64x8x5760xf32, #tpu.memory_space<hbm>> -> memref<1x8x5760xf32, #tpu.memory_space<hbm>>
      %dma_start3A_22 = tpu.memref_squeeze %dma_start3A_21 : memref<1x8x5760xf32, #tpu.memory_space<hbm>> -> memref<8x5760xf32, #tpu.memory_space<hbm>>
      %dma_start3A_23 = arith.constant 0 : i32
      %dma_start3A_24 = arith.constant 0 : i32
      %dma_start3A_25 = tpu.memref_slice %arg3[%add3A_4, %dma_start3A_23, %dma_start3A_24] : memref<64x8x5760xf32, #tpu.memory_space<hbm>> -> memref<1x8x5760xf32, #tpu.memory_space<hbm>>
      %dma_start3A_26 = tpu.memref_squeeze %dma_start3A_25 : memref<1x8x5760xf32, #tpu.memory_space<hbm>> -> memref<8x5760xf32, #tpu.memory_space<hbm>>
      tpu.enqueue_dma source(%dma_start3A_26 : memref<8x5760xf32, #tpu.memory_space<hbm>>) target(%arg6 : memref<8x5760xf32, #tpu.memory_space<vmem>>) target_semaphore(%run_scoped3A : memref<!tpu.dma_semaphore, #tpu.memory_space<semaphore_mem>>)
      %dma_wait3A = arith.constant 0 : i32
      %dma_wait3A_27 = arith.constant 0 : i32
      %dma_wait3A_28 = tpu.memref_slice %arg3[%add3A_4, %dma_wait3A, %dma_wait3A_27] : memref<64x8x5760xf32, #tpu.memory_space<hbm>> -> memref<1x8x5760xf32, #tpu.memory_space<hbm>>
      %dma_wait3A_29 = tpu.memref_squeeze %dma_wait3A_28 : memref<1x8x5760xf32, #tpu.memory_space<hbm>> -> memref<8x5760xf32, #tpu.memory_space<hbm>>
      %dma_wait3A_30 = arith.constant 0 : i32
      %dma_wait3A_31 = arith.constant 0 : i32
      %dma_wait3A_32 = tpu.memref_slice %arg3[%add3A_4, %dma_wait3A_30, %dma_wait3A_31] : memref<64x8x5760xf32, #tpu.memory_space<hbm>> -> memref<1x8x5760xf32, #tpu.memory_space<hbm>>
      %dma_wait3A_33 = tpu.memref_squeeze %dma_wait3A_32 : memref<1x8x5760xf32, #tpu.memory_space<hbm>> -> memref<8x5760xf32, #tpu.memory_space<hbm>>
      tpu.wait_dma2 semaphore(%run_scoped3A : memref<!tpu.dma_semaphore, #tpu.memory_space<semaphore_mem>>) src(%dma_wait3A_33 : memref<8x5760xf32, #tpu.memory_space<hbm>>) dst(%arg6 : memref<8x5760xf32, #tpu.memory_space<vmem>>)
      tpu.yield
    }) : () -> ()
    %scan3A = arith.constant 0 : i32
    %scan3A_5 = arith.constant 0 : i32
    %scan3A_6 = arith.constant 8 : i32
    %scan3A_7 = arith.addi %scan3A_5, %scan3A_6 : i32
    %scan3A_8 = arith.constant 1 : i32
    scf.for %scan3A_20 = %scan3A_5 to %scan3A_7 step %scan3A_8  : i32 {
      %mul3A_21 = arith.constant 8 : i32
      %mul3A_22 = arith.muli %scan3A_20, %mul3A_21 : i32
      "tpu.region"() ({
        %run_scoped3A = tpu.sem_alloc : memref<!tpu.dma_semaphore, #tpu.memory_space<semaphore_mem>>
        %dma_start3A = arith.constant 0 : i32
        %dma_start3A_31 = tpu.memref_slice %arg2[%add3A_4, %mul3A_22, %dma_start3A] : memref<64x64x5760xf32, #tpu.memory_space<hbm>> -> memref<1x8x5760xf32, #tpu.memory_space<hbm>>
        %dma_start3A_32 = tpu.memref_squeeze %dma_start3A_31 : memref<1x8x5760xf32, #tpu.memory_space<hbm>> -> memref<8x5760xf32, #tpu.memory_space<hbm>>
        %dma_start3A_33 = arith.constant 0 : i32
        %dma_start3A_34 = tpu.memref_slice %arg2[%add3A_4, %mul3A_22, %dma_start3A_33] : memref<64x64x5760xf32, #tpu.memory_space<hbm>> -> memref<1x8x5760xf32, #tpu.memory_space<hbm>>
        %dma_start3A_35 = tpu.memref_squeeze %dma_start3A_34 : memref<1x8x5760xf32, #tpu.memory_space<hbm>> -> memref<8x5760xf32, #tpu.memory_space<hbm>>
        tpu.enqueue_dma source(%dma_start3A_35 : memref<8x5760xf32, #tpu.memory_space<hbm>>) target(%arg5 : memref<8x5760xf32, #tpu.memory_space<vmem>>) target_semaphore(%run_scoped3A : memref<!tpu.dma_semaphore, #tpu.memory_space<semaphore_mem>>)
        %dma_wait3A = arith.constant 0 : i32
        %dma_wait3A_36 = tpu.memref_slice %arg2[%add3A_4, %mul3A_22, %dma_wait3A] : memref<64x64x5760xf32, #tpu.memory_space<hbm>> -> memref<1x8x5760xf32, #tpu.memory_space<hbm>>
        %dma_wait3A_37 = tpu.memref_squeeze %dma_wait3A_36 : memref<1x8x5760xf32, #tpu.memory_space<hbm>> -> memref<8x5760xf32, #tpu.memory_space<hbm>>
        %dma_wait3A_38 = arith.constant 0 : i32
        %dma_wait3A_39 = tpu.memref_slice %arg2[%add3A_4, %mul3A_22, %dma_wait3A_38] : memref<64x64x5760xf32, #tpu.memory_space<hbm>> -> memref<1x8x5760xf32, #tpu.memory_space<hbm>>
        %dma_wait3A_40 = tpu.memref_squeeze %dma_wait3A_39 : memref<1x8x5760xf32, #tpu.memory_space<hbm>> -> memref<8x5760xf32, #tpu.memory_space<hbm>>
        tpu.wait_dma2 semaphore(%run_scoped3A : memref<!tpu.dma_semaphore, #tpu.memory_space<semaphore_mem>>) src(%dma_wait3A_40 : memref<8x5760xf32, #tpu.memory_space<hbm>>) dst(%arg5 : memref<8x5760xf32, #tpu.memory_space<vmem>>)
        tpu.yield
      }) : () -> ()
      %scan3A_23 = arith.constant 0 : i32
      %scan3A_24 = arith.constant 0 : i32
      %scan3A_25 = arith.constant 360 : i32
      %scan3A_26 = arith.addi %scan3A_24, %scan3A_25 : i32
      %scan3A_27 = arith.constant 1 : i32
      scf.for %scan3A_31 = %scan3A_24 to %scan3A_26 step %scan3A_27  : i32 {
        %mul3A_32 = arith.constant 16 : i32
        %mul3A_33 = arith.muli %scan3A_31, %mul3A_32 : i32
        %get3A = arith.constant 0 : i32
        %get3A_34 = arith.index_cast %get3A : i32 to index
        %get3A_35 = arith.index_cast %mul3A_33 : i32 to index
        %get3A_36 = tpu.vector_load %arg6[%get3A_34, %get3A_35] {strides = array<i32>} : memref<8x5760xf32, #tpu.memory_space<vmem>>, vector<1x16xf32>,
        %get3A_37 = vector.shape_cast %get3A_36 : vector<1x16xf32> to vector<16xf32>
        %get3A_38 = arith.constant 0 : i32
        %get3A_39 = arith.index_cast %get3A_38 : i32 to index
        %get3A_40 = arith.index_cast %mul3A_33 : i32 to index
        %get3A_41 = tpu.vector_load %arg5[%get3A_39, %get3A_40] {strides = array<i32>} : memref<8x5760xf32, #tpu.memory_space<vmem>>, vector<1x16xf32>,
        %get3A_42 = vector.shape_cast %get3A_41 : vector<1x16xf32> to vector<16xf32>
        %mul3A_43 = arith.mulf %get3A_42, %get3A_37 : vector<16xf32>
        %swap3A = arith.constant 0 : i32
        %swap3A_44 = arith.index_cast %swap3A : i32 to index
        %swap3A_45 = arith.index_cast %mul3A_33 : i32 to index
        %swap3A_46 = tpu.vector_load %arg5[%swap3A_44, %swap3A_45] {strides = array<i32>} : memref<8x5760xf32, #tpu.memory_space<vmem>>, vector<1x16xf32>,
        %swap3A_47 = vector.shape_cast %swap3A_46 : vector<1x16xf32> to vector<16xf32>
        %swap3A_48 = vector.shape_cast %mul3A_43 : vector<16xf32> to vector<1x16xf32>
        tpu.vector_store %arg5[%swap3A_44, %swap3A_45], %swap3A_48 {strides = array<i32>} : memref<8x5760xf32, #tpu.memory_space<vmem>>, vector<1x16xf32>,
        %get3A_49 = arith.constant 1 : i32
        %get3A_50 = arith.index_cast %get3A_49 : i32 to index
        %get3A_51 = arith.index_cast %mul3A_33 : i32 to index
        %get3A_52 = tpu.vector_load %arg5[%get3A_50, %get3A_51] {strides = array<i32>} : memref<8x5760xf32, #tpu.memory_space<vmem>>, vector<1x16xf32>,
        %get3A_53 = vector.shape_cast %get3A_52 : vector<1x16xf32> to vector<16xf32>
        %mul3A_54 = arith.mulf %get3A_53, %get3A_37 : vector<16xf32>
        %swap3A_55 = arith.constant 1 : i32
        %swap3A_56 = arith.index_cast %swap3A_55 : i32 to index
        %swap3A_57 = arith.index_cast %mul3A_33 : i32 to index
        %swap3A_58 = tpu.vector_load %arg5[%swap3A_56, %swap3A_57] {strides = array<i32>} : memref<8x5760xf32, #tpu.memory_space<vmem>>, vector<1x16xf32>,
        %swap3A_59 = vector.shape_cast %swap3A_58 : vector<1x16xf32> to vector<16xf32>
        %swap3A_60 = vector.shape_cast %mul3A_54 : vector<16xf32> to vector<1x16xf32>
        tpu.vector_store %arg5[%swap3A_56, %swap3A_57], %swap3A_60 {strides = array<i32>} : memref<8x5760xf32, #tpu.memory_space<vmem>>, vector<1x16xf32>,
        %get3A_61 = arith.constant 2 : i32
        %get3A_62 = arith.index_cast %get3A_61 : i32 to index
        %get3A_63 = arith.index_cast %mul3A_33 : i32 to index
        %get3A_64 = tpu.vector_load %arg5[%get3A_62, %get3A_63] {strides = array<i32>} : memref<8x5760xf32, #tpu.memory_space<vmem>>, vector<1x16xf32>,
        %get3A_65 = vector.shape_cast %get3A_64 : vector<1x16xf32> to vector<16xf32>
        %mul3A_66 = arith.mulf %get3A_65, %get3A_37 : vector<16xf32>
        %swap3A_67 = arith.constant 2 : i32
        %swap3A_68 = arith.index_cast %swap3A_67 : i32 to index
        %swap3A_69 = arith.index_cast %mul3A_33 : i32 to index
        %swap3A_70 = tpu.vector_load %arg5[%swap3A_68, %swap3A_69] {strides = array<i32>} : memref<8x5760xf32, #tpu.memory_space<vmem>>, vector<1x16xf32>,
        %swap3A_71 = vector.shape_cast %swap3A_70 : vector<1x16xf32> to vector<16xf32>
        %swap3A_72 = vector.shape_cast %mul3A_66 : vector<16xf32> to vector<1x16xf32>
        tpu.vector_store %arg5[%swap3A_68, %swap3A_69], %swap3A_72 {strides = array<i32>} : memref<8x5760xf32, #tpu.memory_space<vmem>>, vector<1x16xf32>,
        %get3A_73 = arith.constant 3 : i32
        %get3A_74 = arith.index_cast %get3A_73 : i32 to index
        %get3A_75 = arith.index_cast %mul3A_33 : i32 to index
        %get3A_76 = tpu.vector_load %arg5[%get3A_74, %get3A_75] {strides = array<i32>} : memref<8x5760xf32, #tpu.memory_space<vmem>>, vector<1x16xf32>,
        %get3A_77 = vector.shape_cast %get3A_76 : vector<1x16xf32> to vector<16xf32>
        %mul3A_78 = arith.mulf %get3A_77, %get3A_37 : vector<16xf32>
        %swap3A_79 = arith.constant 3 : i32
        %swap3A_80 = arith.index_cast %swap3A_79 : i32 to index
        %swap3A_81 = arith.index_cast %mul3A_33 : i32 to index
        %swap3A_82 = tpu.vector_load %arg5[%swap3A_80, %swap3A_81] {strides = array<i32>} : memref<8x5760xf32, #tpu.memory_space<vmem>>, vector<1x16xf32>,
        %swap3A_83 = vector.shape_cast %swap3A_82 : vector<1x16xf32> to vector<16xf32>
        %swap3A_84 = vector.shape_cast %mul3A_78 : vector<16xf32> to vector<1x16xf32>
        tpu.vector_store %arg5[%swap3A_80, %swap3A_81], %swap3A_84 {strides = array<i32>} : memref<8x5760xf32, #tpu.memory_space<vmem>>, vector<1x16xf32>,
        %get3A_85 = arith.constant 4 : i32
        %get3A_86 = arith.index_cast %get3A_85 : i32 to index
        %get3A_87 = arith.index_cast %mul3A_33 : i32 to index
        %get3A_88 = tpu.vector_load %arg5[%get3A_86, %get3A_87] {strides = array<i32>} : memref<8x5760xf32, #tpu.memory_space<vmem>>, vector<1x16xf32>,
        %get3A_89 = vector.shape_cast %get3A_88 : vector<1x16xf32> to vector<16xf32>
        %mul3A_90 = arith.mulf %get3A_89, %get3A_37 : vector<16xf32>
        %swap3A_91 = arith.constant 4 : i32
        %swap3A_92 = arith.index_cast %swap3A_91 : i32 to index
        %swap3A_93 = arith.index_cast %mul3A_33 : i32 to index
        %swap3A_94 = tpu.vector_load %arg5[%swap3A_92, %swap3A_93] {strides = array<i32>} : memref<8x5760xf32, #tpu.memory_space<vmem>>, vector<1x16xf32>,
        %swap3A_95 = vector.shape_cast %swap3A_94 : vector<1x16xf32> to vector<16xf32>
        %swap3A_96 = vector.shape_cast %mul3A_90 : vector<16xf32> to vector<1x16xf32>
        tpu.vector_store %arg5[%swap3A_92, %swap3A_93], %swap3A_96 {strides = array<i32>} : memref<8x5760xf32, #tpu.memory_space<vmem>>, vector<1x16xf32>,
        %get3A_97 = arith.constant 5 : i32
        %get3A_98 = arith.index_cast %get3A_97 : i32 to index
        %get3A_99 = arith.index_cast %mul3A_33 : i32 to index
        %get3A_100 = tpu.vector_load %arg5[%get3A_98, %get3A_99] {strides = array<i32>} : memref<8x5760xf32, #tpu.memory_space<vmem>>, vector<1x16xf32>,
        %get3A_101 = vector.shape_cast %get3A_100 : vector<1x16xf32> to vector<16xf32>
        %mul3A_102 = arith.mulf %get3A_101, %get3A_37 : vector<16xf32>
        %swap3A_103 = arith.constant 5 : i32
        %swap3A_104 = arith.index_cast %swap3A_103 : i32 to index
        %swap3A_105 = arith.index_cast %mul3A_33 : i32 to index
        %swap3A_106 = tpu.vector_load %arg5[%swap3A_104, %swap3A_105] {strides = array<i32>} : memref<8x5760xf32, #tpu.memory_space<vmem>>, vector<1x16xf32>,
        %swap3A_107 = vector.shape_cast %swap3A_106 : vector<1x16xf32> to vector<16xf32>
        %swap3A_108 = vector.shape_cast %mul3A_102 : vector<16xf32> to vector<1x16xf32>
        tpu.vector_store %arg5[%swap3A_104, %swap3A_105], %swap3A_108 {strides = array<i32>} : memref<8x5760xf32, #tpu.memory_space<vmem>>, vector<1x16xf32>,
        %get3A_109 = arith.constant 6 : i32
        %get3A_110 = arith.index_cast %get3A_109 : i32 to index
        %get3A_111 = arith.index_cast %mul3A_33 : i32 to index
        %get3A_112 = tpu.vector_load %arg5[%get3A_110, %get3A_111] {strides = array<i32>} : memref<8x5760xf32, #tpu.memory_space<vmem>>, vector<1x16xf32>,
        %get3A_113 = vector.shape_cast %get3A_112 : vector<1x16xf32> to vector<16xf32>
        %mul3A_114 = arith.mulf %get3A_113, %get3A_37 : vector<16xf32>
        %swap3A_115 = arith.constant 6 : i32
        %swap3A_116 = arith.index_cast %swap3A_115 : i32 to index
        %swap3A_117 = arith.index_cast %mul3A_33 : i32 to index
        %swap3A_118 = tpu.vector_load %arg5[%swap3A_116, %swap3A_117] {strides = array<i32>} : memref<8x5760xf32, #tpu.memory_space<vmem>>, vector<1x16xf32>,
        %swap3A_119 = vector.shape_cast %swap3A_118 : vector<1x16xf32> to vector<16xf32>
        %swap3A_120 = vector.shape_cast %mul3A_114 : vector<16xf32> to vector<1x16xf32>
        tpu.vector_store %arg5[%swap3A_116, %swap3A_117], %swap3A_120 {strides = array<i32>} : memref<8x5760xf32, #tpu.memory_space<vmem>>, vector<1x16xf32>,
        %get3A_121 = arith.constant 7 : i32
        %get3A_122 = arith.index_cast %get3A_121 : i32 to index
        %get3A_123 = arith.index_cast %mul3A_33 : i32 to index
        %get3A_124 = tpu.vector_load %arg5[%get3A_122, %get3A_123] {strides = array<i32>} : memref<8x5760xf32, #tpu.memory_space<vmem>>, vector<1x16xf32>,
        %get3A_125 = vector.shape_cast %get3A_124 : vector<1x16xf32> to vector<16xf32>
        %mul3A_126 = arith.mulf %get3A_125, %get3A_37 : vector<16xf32>
        %swap3A_127 = arith.constant 7 : i32
        %swap3A_128 = arith.index_cast %swap3A_127 : i32 to index
        %swap3A_129 = arith.index_cast %mul3A_33 : i32 to index
        %swap3A_130 = tpu.vector_load %arg5[%swap3A_128, %swap3A_129] {strides = array<i32>} : memref<8x5760xf32, #tpu.memory_space<vmem>>, vector<1x16xf32>,
        %swap3A_131 = vector.shape_cast %swap3A_130 : vector<1x16xf32> to vector<16xf32>
        %swap3A_132 = vector.shape_cast %mul3A_126 : vector<16xf32> to vector<1x16xf32>
        tpu.vector_store %arg5[%swap3A_128, %swap3A_129], %swap3A_132 {strides = array<i32>} : memref<8x5760xf32, #tpu.memory_space<vmem>>, vector<1x16xf32>,
      }
      %scan3A_28 = arith.constant 360 : i32
      %mul3A_29 = arith.constant 8 : i32
      %mul3A_30 = arith.muli %scan3A_20, %mul3A_29 : i32
      "tpu.region"() ({
        %run_scoped3A = tpu.sem_alloc : memref<!tpu.dma_semaphore, #tpu.memory_space<semaphore_mem>>
        %dma_start3A = arith.constant 0 : i32
        %dma_start3A_31 = tpu.memref_slice %arg4[%add3A_4, %mul3A_30, %dma_start3A] : memref<64x64x5760xf32, #tpu.memory_space<hbm>> -> memref<1x8x5760xf32, #tpu.memory_space<hbm>>
        %dma_start3A_32 = tpu.memref_squeeze %dma_start3A_31 : memref<1x8x5760xf32, #tpu.memory_space<hbm>> -> memref<8x5760xf32, #tpu.memory_space<hbm>>
        %dma_start3A_33 = arith.constant 0 : i32
        %dma_start3A_34 = tpu.memref_slice %arg4[%add3A_4, %mul3A_30, %dma_start3A_33] : memref<64x64x5760xf32, #tpu.memory_space<hbm>> -> memref<1x8x5760xf32, #tpu.memory_space<hbm>>
        %dma_start3A_35 = tpu.memref_squeeze %dma_start3A_34 : memref<1x8x5760xf32, #tpu.memory_space<hbm>> -> memref<8x5760xf32, #tpu.memory_space<hbm>>
        tpu.enqueue_dma source(%arg5 : memref<8x5760xf32, #tpu.memory_space<vmem>>) target(%dma_start3A_35 : memref<8x5760xf32, #tpu.memory_space<hbm>>) target_semaphore(%run_scoped3A : memref<!tpu.dma_semaphore, #tpu.memory_space<semaphore_mem>>)
        %dma_wait3A = arith.constant 0 : i32
        %dma_wait3A_36 = tpu.memref_slice %arg4[%add3A_4, %mul3A_30, %dma_wait3A] : memref<64x64x5760xf32, #tpu.memory_space<hbm>> -> memref<1x8x5760xf32, #tpu.memory_space<hbm>>
        %dma_wait3A_37 = tpu.memref_squeeze %dma_wait3A_36 : memref<1x8x5760xf32, #tpu.memory_space<hbm>> -> memref<8x5760xf32, #tpu.memory_space<hbm>>
        %dma_wait3A_38 = arith.constant 0 : i32
        %dma_wait3A_39 = tpu.memref_slice %arg4[%add3A_4, %mul3A_30, %dma_wait3A_38] : memref<64x64x5760xf32, #tpu.memory_space<hbm>> -> memref<1x8x5760xf32, #tpu.memory_space<hbm>>
        %dma_wait3A_40 = tpu.memref_squeeze %dma_wait3A_39 : memref<1x8x5760xf32, #tpu.memory_space<hbm>> -> memref<8x5760xf32, #tpu.memory_space<hbm>>
        tpu.wait_dma2 semaphore(%run_scoped3A : memref<!tpu.dma_semaphore, #tpu.memory_space<semaphore_mem>>) src(%arg5 : memref<8x5760xf32, #tpu.memory_space<vmem>>) dst(%dma_wait3A_40 : memref<8x5760xf32, #tpu.memory_space<hbm>>)
        tpu.yield
      }) : () -> ()
    }
    %scan3A_9 = arith.constant 8 : i32
    %mul3A_10 = arith.constant 2 : i32
    %mul3A_11 = arith.muli %add3A, %mul3A_10 : i32
    %add3A_12 = arith.constant 1 : i32
    %add3A_13 = arith.addi %mul3A_11, %add3A_12 : i32
    "tpu.region"() ({
      %run_scoped3A = tpu.sem_alloc : memref<!tpu.dma_semaphore, #tpu.memory_space<semaphore_mem>>
      %dma_start3A = arith.constant 0 : i32
      %dma_start3A_20 = arith.constant 0 : i32
      %dma_start3A_21 = tpu.memref_slice %arg3[%add3A_13, %dma_start3A, %dma_start3A_20] : memref<64x8x5760xf32, #tpu.memory_space<hbm>> -> memref<1x8x5760xf32, #tpu.memory_space<hbm>>
      %dma_start3A_22 = tpu.memref_squeeze %dma_start3A_21 : memref<1x8x5760xf32, #tpu.memory_space<hbm>> -> memref<8x5760xf32, #tpu.memory_space<hbm>>
      %dma_start3A_23 = arith.constant 0 : i32
      %dma_start3A_24 = arith.constant 0 : i32
      %dma_start3A_25 = tpu.memref_slice %arg3[%add3A_13, %dma_start3A_23, %dma_start3A_24] : memref<64x8x5760xf32, #tpu.memory_space<hbm>> -> memref<1x8x5760xf32, #tpu.memory_space<hbm>>
      %dma_start3A_26 = tpu.memref_squeeze %dma_start3A_25 : memref<1x8x5760xf32, #tpu.memory_space<hbm>> -> memref<8x5760xf32, #tpu.memory_space<hbm>>
      tpu.enqueue_dma source(%dma_start3A_26 : memref<8x5760xf32, #tpu.memory_space<hbm>>) target(%arg6 : memref<8x5760xf32, #tpu.memory_space<vmem>>) target_semaphore(%run_scoped3A : memref<!tpu.dma_semaphore, #tpu.memory_space<semaphore_mem>>)
      %dma_wait3A = arith.constant 0 : i32
      %dma_wait3A_27 = arith.constant 0 : i32
      %dma_wait3A_28 = tpu.memref_slice %arg3[%add3A_13, %dma_wait3A, %dma_wait3A_27] : memref<64x8x5760xf32, #tpu.memory_space<hbm>> -> memref<1x8x5760xf32, #tpu.memory_space<hbm>>
      %dma_wait3A_29 = tpu.memref_squeeze %dma_wait3A_28 : memref<1x8x5760xf32, #tpu.memory_space<hbm>> -> memref<8x5760xf32, #tpu.memory_space<hbm>>
      %dma_wait3A_30 = arith.constant 0 : i32
      %dma_wait3A_31 = arith.constant 0 : i32
      %dma_wait3A_32 = tpu.memref_slice %arg3[%add3A_13, %dma_wait3A_30, %dma_wait3A_31] : memref<64x8x5760xf32, #tpu.memory_space<hbm>> -> memref<1x8x5760xf32, #tpu.memory_space<hbm>>
      %dma_wait3A_33 = tpu.memref_squeeze %dma_wait3A_32 : memref<1x8x5760xf32, #tpu.memory_space<hbm>> -> memref<8x5760xf32, #tpu.memory_space<hbm>>
      tpu.wait_dma2 semaphore(%run_scoped3A : memref<!tpu.dma_semaphore, #tpu.memory_space<semaphore_mem>>) src(%dma_wait3A_33 : memref<8x5760xf32, #tpu.memory_space<hbm>>) dst(%arg6 : memref<8x5760xf32, #tpu.memory_space<vmem>>)
      tpu.yield
    }) : () -> ()
    %scan3A_14 = arith.constant 0 : i32
    %scan3A_15 = arith.constant 0 : i32
    %scan3A_16 = arith.constant 8 : i32
    %scan3A_17 = arith.addi %scan3A_15, %scan3A_16 : i32
    %scan3A_18 = arith.constant 1 : i32
    scf.for %scan3A_20 = %scan3A_15 to %scan3A_17 step %scan3A_18  : i32 {
      %mul3A_21 = arith.constant 8 : i32
      %mul3A_22 = arith.muli %scan3A_20, %mul3A_21 : i32
      "tpu.region"() ({
        %run_scoped3A = tpu.sem_alloc : memref<!tpu.dma_semaphore, #tpu.memory_space<semaphore_mem>>
        %dma_start3A = arith.constant 0 : i32
        %dma_start3A_31 = tpu.memref_slice %arg2[%add3A_13, %mul3A_22, %dma_start3A] : memref<64x64x5760xf32, #tpu.memory_space<hbm>> -> memref<1x8x5760xf32, #tpu.memory_space<hbm>>
        %dma_start3A_32 = tpu.memref_squeeze %dma_start3A_31 : memref<1x8x5760xf32, #tpu.memory_space<hbm>> -> memref<8x5760xf32, #tpu.memory_space<hbm>>
        %dma_start3A_33 = arith.constant 0 : i32
        %dma_start3A_34 = tpu.memref_slice %arg2[%add3A_13, %mul3A_22, %dma_start3A_33] : memref<64x64x5760xf32, #tpu.memory_space<hbm>> -> memref<1x8x5760xf32, #tpu.memory_space<hbm>>
        %dma_start3A_35 = tpu.memref_squeeze %dma_start3A_34 : memref<1x8x5760xf32, #tpu.memory_space<hbm>> -> memref<8x5760xf32, #tpu.memory_space<hbm>>
        tpu.enqueue_dma source(%dma_start3A_35 : memref<8x5760xf32, #tpu.memory_space<hbm>>) target(%arg5 : memref<8x5760xf32, #tpu.memory_space<vmem>>) target_semaphore(%run_scoped3A : memref<!tpu.dma_semaphore, #tpu.memory_space<semaphore_mem>>)
        %dma_wait3A = arith.constant 0 : i32
        %dma_wait3A_36 = tpu.memref_slice %arg2[%add3A_13, %mul3A_22, %dma_wait3A] : memref<64x64x5760xf32, #tpu.memory_space<hbm>> -> memref<1x8x5760xf32, #tpu.memory_space<hbm>>
        %dma_wait3A_37 = tpu.memref_squeeze %dma_wait3A_36 : memref<1x8x5760xf32, #tpu.memory_space<hbm>> -> memref<8x5760xf32, #tpu.memory_space<hbm>>
        %dma_wait3A_38 = arith.constant 0 : i32
        %dma_wait3A_39 = tpu.memref_slice %arg2[%add3A_13, %mul3A_22, %dma_wait3A_38] : memref<64x64x5760xf32, #tpu.memory_space<hbm>> -> memref<1x8x5760xf32, #tpu.memory_space<hbm>>
        %dma_wait3A_40 = tpu.memref_squeeze %dma_wait3A_39 : memref<1x8x5760xf32, #tpu.memory_space<hbm>> -> memref<8x5760xf32, #tpu.memory_space<hbm>>
        tpu.wait_dma2 semaphore(%run_scoped3A : memref<!tpu.dma_semaphore, #tpu.memory_space<semaphore_mem>>) src(%dma_wait3A_40 : memref<8x5760xf32, #tpu.memory_space<hbm>>) dst(%arg5 : memref<8x5760xf32, #tpu.memory_space<vmem>>)
        tpu.yield
      }) : () -> ()
      %scan3A_23 = arith.constant 0 : i32
      %scan3A_24 = arith.constant 0 : i32
      %scan3A_25 = arith.constant 360 : i32
      %scan3A_26 = arith.addi %scan3A_24, %scan3A_25 : i32
      %scan3A_27 = arith.constant 1 : i32
      scf.for %scan3A_31 = %scan3A_24 to %scan3A_26 step %scan3A_27  : i32 {
        %mul3A_32 = arith.constant 16 : i32
        %mul3A_33 = arith.muli %scan3A_31, %mul3A_32 : i32
        %get3A = arith.constant 0 : i32
        %get3A_34 = arith.index_cast %get3A : i32 to index
        %get3A_35 = arith.index_cast %mul3A_33 : i32 to index
        %get3A_36 = tpu.vector_load %arg6[%get3A_34, %get3A_35] {strides = array<i32>} : memref<8x5760xf32, #tpu.memory_space<vmem>>, vector<1x16xf32>,
        %get3A_37 = vector.shape_cast %get3A_36 : vector<1x16xf32> to vector<16xf32>
        %get3A_38 = arith.constant 0 : i32
        %get3A_39 = arith.index_cast %get3A_38 : i32 to index
        %get3A_40 = arith.index_cast %mul3A_33 : i32 to index
        %get3A_41 = tpu.vector_load %arg5[%get3A_39, %get3A_40] {strides = array<i32>} : memref<8x5760xf32, #tpu.memory_space<vmem>>, vector<1x16xf32>,
        %get3A_42 = vector.shape_cast %get3A_41 : vector<1x16xf32> to vector<16xf32>
        %mul3A_43 = arith.mulf %get3A_42, %get3A_37 : vector<16xf32>
        %swap3A = arith.constant 0 : i32
        %swap3A_44 = arith.index_cast %swap3A : i32 to index
        %swap3A_45 = arith.index_cast %mul3A_33 : i32 to index
        %swap3A_46 = tpu.vector_load %arg5[%swap3A_44, %swap3A_45] {strides = array<i32>} : memref<8x5760xf32, #tpu.memory_space<vmem>>, vector<1x16xf32>,
        %swap3A_47 = vector.shape_cast %swap3A_46 : vector<1x16xf32> to vector<16xf32>
        %swap3A_48 = vector.shape_cast %mul3A_43 : vector<16xf32> to vector<1x16xf32>
        tpu.vector_store %arg5[%swap3A_44, %swap3A_45], %swap3A_48 {strides = array<i32>} : memref<8x5760xf32, #tpu.memory_space<vmem>>, vector<1x16xf32>,
        %get3A_49 = arith.constant 1 : i32
        %get3A_50 = arith.index_cast %get3A_49 : i32 to index
        %get3A_51 = arith.index_cast %mul3A_33 : i32 to index
        %get3A_52 = tpu.vector_load %arg5[%get3A_50, %get3A_51] {strides = array<i32>} : memref<8x5760xf32, #tpu.memory_space<vmem>>, vector<1x16xf32>,
        %get3A_53 = vector.shape_cast %get3A_52 : vector<1x16xf32> to vector<16xf32>
        %mul3A_54 = arith.mulf %get3A_53, %get3A_37 : vector<16xf32>
        %swap3A_55 = arith.constant 1 : i32
        %swap3A_56 = arith.index_cast %swap3A_55 : i32 to index
        %swap3A_57 = arith.index_cast %mul3A_33 : i32 to index
        %swap3A_58 = tpu.vector_load %arg5[%swap3A_56, %swap3A_57] {strides = array<i32>} : memref<8x5760xf32, #tpu.memory_space<vmem>>, vector<1x16xf32>,
        %swap3A_59 = vector.shape_cast %swap3A_58 : vector<1x16xf32> to vector<16xf32>
        %swap3A_60 = vector.shape_cast %mul3A_54 : vector<16xf32> to vector<1x16xf32>
        tpu.vector_store %arg5[%swap3A_56, %swap3A_57], %swap3A_60 {strides = array<i32>} : memref<8x5760xf32, #tpu.memory_space<vmem>>, vector<1x16xf32>,
        %get3A_61 = arith.constant 2 : i32
        %get3A_62 = arith.index_cast %get3A_61 : i32 to index
        %get3A_63 = arith.index_cast %mul3A_33 : i32 to index
        %get3A_64 = tpu.vector_load %arg5[%get3A_62, %get3A_63] {strides = array<i32>} : memref<8x5760xf32, #tpu.memory_space<vmem>>, vector<1x16xf32>,
        %get3A_65 = vector.shape_cast %get3A_64 : vector<1x16xf32> to vector<16xf32>
        %mul3A_66 = arith.mulf %get3A_65, %get3A_37 : vector<16xf32>
        %swap3A_67 = arith.constant 2 : i32
        %swap3A_68 = arith.index_cast %swap3A_67 : i32 to index
        %swap3A_69 = arith.index_cast %mul3A_33 : i32 to index
        %swap3A_70 = tpu.vector_load %arg5[%swap3A_68, %swap3A_69] {strides = array<i32>} : memref<8x5760xf32, #tpu.memory_space<vmem>>, vector<1x16xf32>,
        %swap3A_71 = vector.shape_cast %swap3A_70 : vector<1x16xf32> to vector<16xf32>
        %swap3A_72 = vector.shape_cast %mul3A_66 : vector<16xf32> to vector<1x16xf32>
        tpu.vector_store %arg5[%swap3A_68, %swap3A_69], %swap3A_72 {strides = array<i32>} : memref<8x5760xf32, #tpu.memory_space<vmem>>, vector<1x16xf32>,
        %get3A_73 = arith.constant 3 : i32
        %get3A_74 = arith.index_cast %get3A_73 : i32 to index
        %get3A_75 = arith.index_cast %mul3A_33 : i32 to index
        %get3A_76 = tpu.vector_load %arg5[%get3A_74, %get3A_75] {strides = array<i32>} : memref<8x5760xf32, #tpu.memory_space<vmem>>, vector<1x16xf32>,
        %get3A_77 = vector.shape_cast %get3A_76 : vector<1x16xf32> to vector<16xf32>
        %mul3A_78 = arith.mulf %get3A_77, %get3A_37 : vector<16xf32>
        %swap3A_79 = arith.constant 3 : i32
        %swap3A_80 = arith.index_cast %swap3A_79 : i32 to index
        %swap3A_81 = arith.index_cast %mul3A_33 : i32 to index
        %swap3A_82 = tpu.vector_load %arg5[%swap3A_80, %swap3A_81] {strides = array<i32>} : memref<8x5760xf32, #tpu.memory_space<vmem>>, vector<1x16xf32>,
        %swap3A_83 = vector.shape_cast %swap3A_82 : vector<1x16xf32> to vector<16xf32>
        %swap3A_84 = vector.shape_cast %mul3A_78 : vector<16xf32> to vector<1x16xf32>
        tpu.vector_store %arg5[%swap3A_80, %swap3A_81], %swap3A_84 {strides = array<i32>} : memref<8x5760xf32, #tpu.memory_space<vmem>>, vector<1x16xf32>,
        %get3A_85 = arith.constant 4 : i32
        %get3A_86 = arith.index_cast %get3A_85 : i32 to index
        %get3A_87 = arith.index_cast %mul3A_33 : i32 to index
        %get3A_88 = tpu.vector_load %arg5[%get3A_86, %get3A_87] {strides = array<i32>} : memref<8x5760xf32, #tpu.memory_space<vmem>>, vector<1x16xf32>,
        %get3A_89 = vector.shape_cast %get3A_88 : vector<1x16xf32> to vector<16xf32>
        %mul3A_90 = arith.mulf %get3A_89, %get3A_37 : vector<16xf32>
        %swap3A_91 = arith.constant 4 : i32
        %swap3A_92 = arith.index_cast %swap3A_91 : i32 to index
        %swap3A_93 = arith.index_cast %mul3A_33 : i32 to index
        %swap3A_94 = tpu.vector_load %arg5[%swap3A_92, %swap3A_93] {strides = array<i32>} : memref<8x5760xf32, #tpu.memory_space<vmem>>, vector<1x16xf32>,
        %swap3A_95 = vector.shape_cast %swap3A_94 : vector<1x16xf32> to vector<16xf32>
        %swap3A_96 = vector.shape_cast %mul3A_90 : vector<16xf32> to vector<1x16xf32>
        tpu.vector_store %arg5[%swap3A_92, %swap3A_93], %swap3A_96 {strides = array<i32>} : memref<8x5760xf32, #tpu.memory_space<vmem>>, vector<1x16xf32>,
        %get3A_97 = arith.constant 5 : i32
        %get3A_98 = arith.index_cast %get3A_97 : i32 to index
        %get3A_99 = arith.index_cast %mul3A_33 : i32 to index
        %get3A_100 = tpu.vector_load %arg5[%get3A_98, %get3A_99] {strides = array<i32>} : memref<8x5760xf32, #tpu.memory_space<vmem>>, vector<1x16xf32>,
        %get3A_101 = vector.shape_cast %get3A_100 : vector<1x16xf32> to vector<16xf32>
        %mul3A_102 = arith.mulf %get3A_101, %get3A_37 : vector<16xf32>
        %swap3A_103 = arith.constant 5 : i32
        %swap3A_104 = arith.index_cast %swap3A_103 : i32 to index
        %swap3A_105 = arith.index_cast %mul3A_33 : i32 to index
        %swap3A_106 = tpu.vector_load %arg5[%swap3A_104, %swap3A_105] {strides = array<i32>} : memref<8x5760xf32, #tpu.memory_space<vmem>>, vector<1x16xf32>,
        %swap3A_107 = vector.shape_cast %swap3A_106 : vector<1x16xf32> to vector<16xf32>
        %swap3A_108 = vector.shape_cast %mul3A_102 : vector<16xf32> to vector<1x16xf32>
        tpu.vector_store %arg5[%swap3A_104, %swap3A_105], %swap3A_108 {strides = array<i32>} : memref<8x5760xf32, #tpu.memory_space<vmem>>, vector<1x16xf32>,
        %get3A_109 = arith.constant 6 : i32
        %get3A_110 = arith.index_cast %get3A_109 : i32 to index
        %get3A_111 = arith.index_cast %mul3A_33 : i32 to index
        %get3A_112 = tpu.vector_load %arg5[%get3A_110, %get3A_111] {strides = array<i32>} : memref<8x5760xf32, #tpu.memory_space<vmem>>, vector<1x16xf32>,
        %get3A_113 = vector.shape_cast %get3A_112 : vector<1x16xf32> to vector<16xf32>
        %mul3A_114 = arith.mulf %get3A_113, %get3A_37 : vector<16xf32>
        %swap3A_115 = arith.constant 6 : i32
        %swap3A_116 = arith.index_cast %swap3A_115 : i32 to index
        %swap3A_117 = arith.index_cast %mul3A_33 : i32 to index
        %swap3A_118 = tpu.vector_load %arg5[%swap3A_116, %swap3A_117] {strides = array<i32>} : memref<8x5760xf32, #tpu.memory_space<vmem>>, vector<1x16xf32>,
        %swap3A_119 = vector.shape_cast %swap3A_118 : vector<1x16xf32> to vector<16xf32>
        %swap3A_120 = vector.shape_cast %mul3A_114 : vector<16xf32> to vector<1x16xf32>
        tpu.vector_store %arg5[%swap3A_116, %swap3A_117], %swap3A_120 {strides = array<i32>} : memref<8x5760xf32, #tpu.memory_space<vmem>>, vector<1x16xf32>,
        %get3A_121 = arith.constant 7 : i32
        %get3A_122 = arith.index_cast %get3A_121 : i32 to index
        %get3A_123 = arith.index_cast %mul3A_33 : i32 to index
        %get3A_124 = tpu.vector_load %arg5[%get3A_122, %get3A_123] {strides = array<i32>} : memref<8x5760xf32, #tpu.memory_space<vmem>>, vector<1x16xf32>,
        %get3A_125 = vector.shape_cast %get3A_124 : vector<1x16xf32> to vector<16xf32>
        %mul3A_126 = arith.mulf %get3A_125, %get3A_37 : vector<16xf32>
        %swap3A_127 = arith.constant 7 : i32
        %swap3A_128 = arith.index_cast %swap3A_127 : i32 to index
        %swap3A_129 = arith.index_cast %mul3A_33 : i32 to index
        %swap3A_130 = tpu.vector_load %arg5[%swap3A_128, %swap3A_129] {strides = array<i32>} : memref<8x5760xf32, #tpu.memory_space<vmem>>, vector<1x16xf32>,
        %swap3A_131 = vector.shape_cast %swap3A_130 : vector<1x16xf32> to vector<16xf32>
        %swap3A_132 = vector.shape_cast %mul3A_126 : vector<16xf32> to vector<1x16xf32>
        tpu.vector_store %arg5[%swap3A_128, %swap3A_129], %swap3A_132 {strides = array<i32>} : memref<8x5760xf32, #tpu.memory_space<vmem>>, vector<1x16xf32>,
      }
      %scan3A_28 = arith.constant 360 : i32
      %mul3A_29 = arith.constant 8 : i32
      %mul3A_30 = arith.muli %scan3A_20, %mul3A_29 : i32
      "tpu.region"() ({
        %run_scoped3A = tpu.sem_alloc : memref<!tpu.dma_semaphore, #tpu.memory_space<semaphore_mem>>
        %dma_start3A = arith.constant 0 : i32
        %dma_start3A_31 = tpu.memref_slice %arg4[%add3A_13, %mul3A_30, %dma_start3A] : memref<64x64x5760xf32, #tpu.memory_space<hbm>> -> memref<1x8x5760xf32, #tpu.memory_space<hbm>>
        %dma_start3A_32 = tpu.memref_squeeze %dma_start3A_31 : memref<1x8x5760xf32, #tpu.memory_space<hbm>> -> memref<8x5760xf32, #tpu.memory_space<hbm>>
        %dma_start3A_33 = arith.constant 0 : i32
        %dma_start3A_34 = tpu.memref_slice %arg4[%add3A_13, %mul3A_30, %dma_start3A_33] : memref<64x64x5760xf32, #tpu.memory_space<hbm>> -> memref<1x8x5760xf32, #tpu.memory_space<hbm>>
        %dma_start3A_35 = tpu.memref_squeeze %dma_start3A_34 : memref<1x8x5760xf32, #tpu.memory_space<hbm>> -> memref<8x5760xf32, #tpu.memory_space<hbm>>
        tpu.enqueue_dma source(%arg5 : memref<8x5760xf32, #tpu.memory_space<vmem>>) target(%dma_start3A_35 : memref<8x5760xf32, #tpu.memory_space<hbm>>) target_semaphore(%run_scoped3A : memref<!tpu.dma_semaphore, #tpu.memory_space<semaphore_mem>>)
        %dma_wait3A = arith.constant 0 : i32
        %dma_wait3A_36 = tpu.memref_slice %arg4[%add3A_13, %mul3A_30, %dma_wait3A] : memref<64x64x5760xf32, #tpu.memory_space<hbm>> -> memref<1x8x5760xf32, #tpu.memory_space<hbm>>
        %dma_wait3A_37 = tpu.memref_squeeze %dma_wait3A_36 : memref<1x8x5760xf32, #tpu.memory_space<hbm>> -> memref<8x5760xf32, #tpu.memory_space<hbm>>
        %dma_wait3A_38 = arith.constant 0 : i32
        %dma_wait3A_39 = tpu.memref_slice %arg4[%add3A_13, %mul3A_30, %dma_wait3A_38] : memref<64x64x5760xf32, #tpu.memory_space<hbm>> -> memref<1x8x5760xf32, #tpu.memory_space<hbm>>
        %dma_wait3A_40 = tpu.memref_squeeze %dma_wait3A_39 : memref<1x8x5760xf32, #tpu.memory_space<hbm>> -> memref<8x5760xf32, #tpu.memory_space<hbm>>
        tpu.wait_dma2 semaphore(%run_scoped3A : memref<!tpu.dma_semaphore, #tpu.memory_space<semaphore_mem>>) src(%arg5 : memref<8x5760xf32, #tpu.memory_space<vmem>>) dst(%dma_wait3A_40 : memref<8x5760xf32, #tpu.memory_space<hbm>>)
        tpu.yield
      }) : () -> ()
    }
    %scan3A_19 = arith.constant 8 : i32
    return
  }
}

module attributes {stable_mosaic.version = 14 : i64} {
  func.func @_mask_body(%arg0: i32, %arg1: memref<1x15x3x64x128xf32, #tpu.memory_space<vmem>>, %arg2: memref<1x8x5760xf32, #tpu.memory_space<vmem>>, %arg3: memref<128x5760xf32, #tpu.memory_space<vmem>>, %arg4: memref<15x5760xf32, #tpu.memory_space<vmem>>) attributes {dimension_semantics = [#tpu.dimension_semantics<arbitrary>], iteration_bounds = array<i64: 64>, scalar_prefetch = 0 : i64, scratch_operands = 2 : i64, tpu.core_type = #tpu.core_type<tc>, window_params = [{transform_indices = @transform_0, window_bounds = array<i64: 1, 15, 3, 64, 128>}, {transform_indices = @transform_1, window_bounds = array<i64: 1, 8, 5760>}]} {
    %eq3A = arith.constant 0 : i32
    %eq3A_0 = arith.cmpi eq, %arg0, %eq3A : i32
    %convert_element_type3A = arith.extui %eq3A_0 : i1 to i32
    %cond3A = arith.constant 0 : i32
    %cond3A_1 = arith.cmpi ne, %convert_element_type3A, %cond3A : i32
    scf.if %cond3A_1 {
      %iota3A_217 = tpu.iota {dimensions = array<i32: 1>} : vector<128x5760xi32>
      %jit3A = arith.constant 45 : i32
      %div3A_218 = vector.broadcast %jit3A : i32 to vector<128x5760xi32>
      %div3A_219 = arith.divsi %iota3A_217, %div3A_218 : vector<128x5760xi32>
      %sign3A = arith.constant 0 : i32
      %sign3A_220 = vector.broadcast %sign3A : i32 to vector<128x5760xi32>
      %sign3A_221 = arith.cmpi sgt, %iota3A_217, %sign3A_220 : vector<128x5760xi32>
      %sign3A_222 = arith.extui %sign3A_221 : vector<128x5760xi1> to vector<128x5760xi32>
      %sign3A_223 = arith.constant 0 : i32
      %sign3A_224 = vector.broadcast %sign3A_223 : i32 to vector<128x5760xi32>
      %sign3A_225 = arith.cmpi slt, %iota3A_217, %sign3A_224 : vector<128x5760xi32>
      %sign3A_226 = arith.extui %sign3A_225 : vector<128x5760xi1> to vector<128x5760xi32>
      %sign3A_227 = arith.subi %sign3A_222, %sign3A_226 : vector<128x5760xi32>
      %sign3A_228 = arith.constant 0 : i32
      %sign3A_229 = arith.cmpi sgt, %jit3A, %sign3A_228 : i32
      %sign3A_230 = arith.extui %sign3A_229 : i1 to i32
      %sign3A_231 = arith.constant 0 : i32
      %sign3A_232 = arith.cmpi slt, %jit3A, %sign3A_231 : i32
      %sign3A_233 = arith.extui %sign3A_232 : i1 to i32
      %sign3A_234 = arith.subi %sign3A_230, %sign3A_233 : i32
      %ne3A = vector.broadcast %sign3A_234 : i32 to vector<128x5760xi32>
      %ne3A_235 = arith.cmpi ne, %sign3A_227, %ne3A : vector<128x5760xi32>
      %rem3A = vector.broadcast %jit3A : i32 to vector<128x5760xi32>
      %rem3A_236 = arith.remsi %iota3A_217, %rem3A : vector<128x5760xi32>
      %ne3A_237 = arith.constant 0 : i32
      %ne3A_238 = vector.broadcast %ne3A_237 : i32 to vector<128x5760xi32>
      %ne3A_239 = arith.cmpi ne, %rem3A_236, %ne3A_238 : vector<128x5760xi32>
      %and3A_240 = arith.andi %ne3A_235, %ne3A_239 : vector<128x5760xi1>
      %sub3A_241 = arith.constant 1 : i32
      %sub3A_242 = vector.broadcast %sub3A_241 : i32 to vector<128x5760xi32>
      %sub3A_243 = arith.subi %div3A_219, %sub3A_242 : vector<128x5760xi32>
      %select_n3A = arith.select %and3A_240, %sub3A_243, %div3A_219 : vector<128x5760xi1>, vector<128x5760xi32>
      %iota3A_244 = tpu.iota {dimensions = array<i32: 0>} : vector<128x5760xi32>
      %eq3A_245 = arith.cmpi eq, %select_n3A, %iota3A_244 : vector<128x5760xi32>
      %convert_element_type3A_246 = arith.extui %eq3A_245 : vector<128x5760xi1> to vector<128x5760xi32>
      %convert_element_type3A_247 = arith.sitofp %convert_element_type3A_246 : vector<128x5760xi32> to vector<128x5760xf32>
      %swap3A_248 = arith.constant 0 : index
      %swap3A_249 = arith.constant 0 : index
      %swap3A_250 = vector.load %arg3[%swap3A_248, %swap3A_249] : memref<128x5760xf32, #tpu.memory_space<vmem>>, vector<128x5760xf32>
      tpu.vector_store %arg3[%swap3A_248, %swap3A_249], %convert_element_type3A_247 {strides = array<i32>} : memref<128x5760xf32, #tpu.memory_space<vmem>>, vector<128x5760xf32>,
      %iota3A_251 = tpu.iota {dimensions = array<i32: 1>} : vector<15x5760xi32>
      %jit3A_252 = arith.constant 45 : i32
      %eq3A_253 = arith.constant 0 : i32
      %eq3A_254 = arith.cmpi eq, %jit3A_252, %eq3A_253 : i32
      %jit3A_255 = arith.constant 1 : i32
      %select_n3A_256 = arith.select %eq3A_254, %jit3A_255, %jit3A_252 : i32
      %rem3A_257 = vector.broadcast %select_n3A_256 : i32 to vector<15x5760xi32>
      %rem3A_258 = arith.remsi %iota3A_251, %rem3A_257 : vector<15x5760xi32>
      %ne3A_259 = arith.constant 0 : i32
      %ne3A_260 = vector.broadcast %ne3A_259 : i32 to vector<15x5760xi32>
      %ne3A_261 = arith.cmpi ne, %rem3A_258, %ne3A_260 : vector<15x5760xi32>
      %lt3A_262 = arith.constant 0 : i32
      %lt3A_263 = vector.broadcast %lt3A_262 : i32 to vector<15x5760xi32>
      %lt3A_264 = arith.cmpi slt, %rem3A_258, %lt3A_263 : vector<15x5760xi32>
      %lt3A_265 = arith.constant 0 : i32
      %lt3A_266 = arith.cmpi slt, %select_n3A_256, %lt3A_265 : i32
      %ne3A_267 = vector.broadcast %lt3A_266 : i1 to vector<15x5760xi1>
      %ne3A_268 = vector.broadcast %ne3A_267 : vector<15x5760xi1> to vector<15x5760xi1>
      %ne3A_269 = arith.xori %lt3A_264, %ne3A_268 : vector<15x5760xi1>
      %and3A_270 = arith.andi %ne3A_269, %ne3A_261 : vector<15x5760xi1>
      %add3A_271 = vector.broadcast %select_n3A_256 : i32 to vector<15x5760xi32>
      %add3A_272 = arith.addi %rem3A_258, %add3A_271 : vector<15x5760xi32>
      %select_n3A_273 = arith.select %and3A_270, %add3A_272, %rem3A_258 : vector<15x5760xi1>, vector<15x5760xi32>
      %jit3A_274 = arith.constant 3 : i32
      %div3A_275 = vector.broadcast %jit3A_274 : i32 to vector<15x5760xi32>
      %div3A_276 = arith.divsi %select_n3A_273, %div3A_275 : vector<15x5760xi32>
      %sign3A_277 = arith.constant 0 : i32
      %sign3A_278 = vector.broadcast %sign3A_277 : i32 to vector<15x5760xi32>
      %sign3A_279 = arith.cmpi sgt, %select_n3A_273, %sign3A_278 : vector<15x5760xi32>
      %sign3A_280 = arith.extui %sign3A_279 : vector<15x5760xi1> to vector<15x5760xi32>
      %sign3A_281 = arith.constant 0 : i32
      %sign3A_282 = vector.broadcast %sign3A_281 : i32 to vector<15x5760xi32>
      %sign3A_283 = arith.cmpi slt, %select_n3A_273, %sign3A_282 : vector<15x5760xi32>
      %sign3A_284 = arith.extui %sign3A_283 : vector<15x5760xi1> to vector<15x5760xi32>
      %sign3A_285 = arith.subi %sign3A_280, %sign3A_284 : vector<15x5760xi32>
      %sign3A_286 = arith.constant 0 : i32
      %sign3A_287 = arith.cmpi sgt, %jit3A_274, %sign3A_286 : i32
      %sign3A_288 = arith.extui %sign3A_287 : i1 to i32
      %sign3A_289 = arith.constant 0 : i32
      %sign3A_290 = arith.cmpi slt, %jit3A_274, %sign3A_289 : i32
      %sign3A_291 = arith.extui %sign3A_290 : i1 to i32
      %sign3A_292 = arith.subi %sign3A_288, %sign3A_291 : i32
      %ne3A_293 = vector.broadcast %sign3A_292 : i32 to vector<15x5760xi32>
      %ne3A_294 = arith.cmpi ne, %sign3A_285, %ne3A_293 : vector<15x5760xi32>
      %rem3A_295 = vector.broadcast %jit3A_274 : i32 to vector<15x5760xi32>
      %rem3A_296 = arith.remsi %select_n3A_273, %rem3A_295 : vector<15x5760xi32>
      %ne3A_297 = arith.constant 0 : i32
      %ne3A_298 = vector.broadcast %ne3A_297 : i32 to vector<15x5760xi32>
      %ne3A_299 = arith.cmpi ne, %rem3A_296, %ne3A_298 : vector<15x5760xi32>
      %and3A_300 = arith.andi %ne3A_294, %ne3A_299 : vector<15x5760xi1>
      %sub3A_301 = arith.constant 1 : i32
      %sub3A_302 = vector.broadcast %sub3A_301 : i32 to vector<15x5760xi32>
      %sub3A_303 = arith.subi %div3A_276, %sub3A_302 : vector<15x5760xi32>
      %select_n3A_304 = arith.select %and3A_300, %sub3A_303, %div3A_276 : vector<15x5760xi1>, vector<15x5760xi32>
      %iota3A_305 = tpu.iota {dimensions = array<i32: 0>} : vector<15x5760xi32>
      %eq3A_306 = arith.cmpi eq, %select_n3A_304, %iota3A_305 : vector<15x5760xi32>
      %convert_element_type3A_307 = arith.extui %eq3A_306 : vector<15x5760xi1> to vector<15x5760xi32>
      %convert_element_type3A_308 = arith.sitofp %convert_element_type3A_307 : vector<15x5760xi32> to vector<15x5760xf32>
      %swap3A_309 = arith.constant 0 : index
      %swap3A_310 = arith.constant 0 : index
      %swap3A_311 = vector.load %arg4[%swap3A_309, %swap3A_310] : memref<15x5760xf32, #tpu.memory_space<vmem>>, vector<15x5760xf32>
      tpu.vector_store %arg4[%swap3A_309, %swap3A_310], %convert_element_type3A_308 {strides = array<i32>} : memref<15x5760xf32, #tpu.memory_space<vmem>>, vector<15x5760xf32>,
    } else {
    }
    %get3A = arith.constant 0 : index
    %get3A_2 = arith.constant 0 : index
    %get3A_3 = arith.constant 0 : index
    %get3A_4 = arith.constant 0 : index
    %get3A_5 = arith.constant 0 : index
    %get3A_6 = vector.load %arg1[%get3A, %get3A_2, %get3A_3, %get3A_4, %get3A_5] : memref<1x15x3x64x128xf32, #tpu.memory_space<vmem>>, vector<1x15x3x64x128xf32>
    %get3A_7 = vector.shape_cast %get3A_6 : vector<1x15x3x64x128xf32> to vector<15x3x64x128xf32>
    %reduce_max3A = arith.constant dense<0xFF800000> : vector<15x128xf32>
    %reduce_max3A_8 = vector.multi_reduction <maximumf>, %get3A_7, %reduce_max3A [1, 2] : vector<15x3x64x128xf32> to vector<15x128xf32>
    %broadcast_in_dim3A = vector.shape_cast %reduce_max3A_8 : vector<15x128xf32> to vector<15x1x1x128xf32>
    %sub3A = vector.broadcast %broadcast_in_dim3A : vector<15x1x1x128xf32> to vector<15x3x64x128xf32>
    %sub3A_9 = arith.subf %get3A_7, %sub3A : vector<15x3x64x128xf32>
    %exp3A = math.exp %sub3A_9 : vector<15x3x64x128xf32>
    %reduce_sum3A = arith.constant dense<0.000000e+00> : vector<15x128xf32>
    %reduce_sum3A_10 = vector.multi_reduction <add>, %exp3A, %reduce_sum3A [1, 2] : vector<15x3x64x128xf32> to vector<15x128xf32>
    %broadcast_in_dim3A_11 = vector.shape_cast %reduce_sum3A_10 : vector<15x128xf32> to vector<15x1x1x128xf32>
    %sub3A_12 = vector.broadcast %broadcast_in_dim3A : vector<15x1x1x128xf32> to vector<15x3x64x128xf32>
    %sub3A_13 = arith.subf %get3A_7, %sub3A_12 : vector<15x3x64x128xf32>
    %mul3A = arith.mulf %exp3A, %sub3A_13 : vector<15x3x64x128xf32>
    %reduce_sum3A_14 = arith.constant dense<0.000000e+00> : vector<15x128xf32>
    %reduce_sum3A_15 = vector.multi_reduction <add>, %mul3A, %reduce_sum3A_14 [1, 2] : vector<15x3x64x128xf32> to vector<15x128xf32>
    %broadcast_in_dim3A_16 = vector.shape_cast %reduce_sum3A_15 : vector<15x128xf32> to vector<15x1x1x128xf32>
    %log3A = math.log %broadcast_in_dim3A_11 : vector<15x1x1x128xf32>
    %div3A = arith.divf %broadcast_in_dim3A_16, %broadcast_in_dim3A_11 : vector<15x1x1x128xf32>
    %sub3A_17 = arith.subf %log3A, %div3A : vector<15x1x1x128xf32>
    %squeeze3A = vector.shape_cast %sub3A_17 : vector<15x1x1x128xf32> to vector<15x128xf32>
    %iota3A = tpu.iota {dimensions = array<i32: 0>} : vector<15x128xi32>
    %broadcast_in_dim3A_18 = arith.constant 0.000000e+00 : f32
    %broadcast_in_dim3A_19 = vector.broadcast %broadcast_in_dim3A_18 : f32 to vector<15x128xf32>
    %slice3A = vector.extract_strided_slice %squeeze3A {offsets = [1, 0], sizes = [14, 128], strides = [1, 1]} : vector<15x128xf32> to vector<14x128xf32>
    %slice3A_20 = vector.extract_strided_slice %squeeze3A {offsets = [0, 0], sizes = [1, 128], strides = [1, 1]} : vector<15x128xf32> to vector<1x128xf32>
    %concatenate3A = tpu.concatenate %slice3A, %slice3A_20 in 0 : vector<14x128xf32>, vector<1x128xf32> -> vector<15x128xf32>
    %ge3A = arith.constant 14 : i32
    %ge3A_21 = vector.broadcast %ge3A : i32 to vector<15x128xi32>
    %ge3A_22 = arith.cmpi sge, %iota3A, %ge3A_21 : vector<15x128xi32>
    %gt3A = arith.cmpf ogt, %concatenate3A, %squeeze3A : vector<15x128xf32>
    %eq3A_23 = arith.cmpf oeq, %concatenate3A, %squeeze3A : vector<15x128xf32>
    %and3A = arith.andi %eq3A_23, %ge3A_22 : vector<15x128xi1>
    %or3A = arith.ori %gt3A, %and3A : vector<15x128xi1>
    %convert_element_type3A_24 = arith.extui %or3A : vector<15x128xi1> to vector<15x128xi32>
    %convert_element_type3A_25 = arith.sitofp %convert_element_type3A_24 : vector<15x128xi32> to vector<15x128xf32>
    %add3A = arith.addf %broadcast_in_dim3A_19, %convert_element_type3A_25 : vector<15x128xf32>
    %slice3A_26 = vector.extract_strided_slice %squeeze3A {offsets = [2, 0], sizes = [13, 128], strides = [1, 1]} : vector<15x128xf32> to vector<13x128xf32>
    %slice3A_27 = vector.extract_strided_slice %squeeze3A {offsets = [0, 0], sizes = [2, 128], strides = [1, 1]} : vector<15x128xf32> to vector<2x128xf32>
    %concatenate3A_28 = tpu.concatenate %slice3A_26, %slice3A_27 in 0 : vector<13x128xf32>, vector<2x128xf32> -> vector<15x128xf32>
    %ge3A_29 = arith.constant 13 : i32
    %ge3A_30 = vector.broadcast %ge3A_29 : i32 to vector<15x128xi32>
    %ge3A_31 = arith.cmpi sge, %iota3A, %ge3A_30 : vector<15x128xi32>
    %gt3A_32 = arith.cmpf ogt, %concatenate3A_28, %squeeze3A : vector<15x128xf32>
    %eq3A_33 = arith.cmpf oeq, %concatenate3A_28, %squeeze3A : vector<15x128xf32>
    %and3A_34 = arith.andi %eq3A_33, %ge3A_31 : vector<15x128xi1>
    %or3A_35 = arith.ori %gt3A_32, %and3A_34 : vector<15x128xi1>
    %convert_element_type3A_36 = arith.extui %or3A_35 : vector<15x128xi1> to vector<15x128xi32>
    %convert_element_type3A_37 = arith.sitofp %convert_element_type3A_36 : vector<15x128xi32> to vector<15x128xf32>
    %add3A_38 = arith.addf %add3A, %convert_element_type3A_37 : vector<15x128xf32>
    %slice3A_39 = vector.extract_strided_slice %squeeze3A {offsets = [3, 0], sizes = [12, 128], strides = [1, 1]} : vector<15x128xf32> to vector<12x128xf32>
    %slice3A_40 = vector.extract_strided_slice %squeeze3A {offsets = [0, 0], sizes = [3, 128], strides = [1, 1]} : vector<15x128xf32> to vector<3x128xf32>
    %concatenate3A_41 = tpu.concatenate %slice3A_39, %slice3A_40 in 0 : vector<12x128xf32>, vector<3x128xf32> -> vector<15x128xf32>
    %ge3A_42 = arith.constant 12 : i32
    %ge3A_43 = vector.broadcast %ge3A_42 : i32 to vector<15x128xi32>
    %ge3A_44 = arith.cmpi sge, %iota3A, %ge3A_43 : vector<15x128xi32>
    %gt3A_45 = arith.cmpf ogt, %concatenate3A_41, %squeeze3A : vector<15x128xf32>
    %eq3A_46 = arith.cmpf oeq, %concatenate3A_41, %squeeze3A : vector<15x128xf32>
    %and3A_47 = arith.andi %eq3A_46, %ge3A_44 : vector<15x128xi1>
    %or3A_48 = arith.ori %gt3A_45, %and3A_47 : vector<15x128xi1>
    %convert_element_type3A_49 = arith.extui %or3A_48 : vector<15x128xi1> to vector<15x128xi32>
    %convert_element_type3A_50 = arith.sitofp %convert_element_type3A_49 : vector<15x128xi32> to vector<15x128xf32>
    %add3A_51 = arith.addf %add3A_38, %convert_element_type3A_50 : vector<15x128xf32>
    %slice3A_52 = vector.extract_strided_slice %squeeze3A {offsets = [4, 0], sizes = [11, 128], strides = [1, 1]} : vector<15x128xf32> to vector<11x128xf32>
    %slice3A_53 = vector.extract_strided_slice %squeeze3A {offsets = [0, 0], sizes = [4, 128], strides = [1, 1]} : vector<15x128xf32> to vector<4x128xf32>
    %concatenate3A_54 = tpu.concatenate %slice3A_52, %slice3A_53 in 0 : vector<11x128xf32>, vector<4x128xf32> -> vector<15x128xf32>
    %ge3A_55 = arith.constant 11 : i32
    %ge3A_56 = vector.broadcast %ge3A_55 : i32 to vector<15x128xi32>
    %ge3A_57 = arith.cmpi sge, %iota3A, %ge3A_56 : vector<15x128xi32>
    %gt3A_58 = arith.cmpf ogt, %concatenate3A_54, %squeeze3A : vector<15x128xf32>
    %eq3A_59 = arith.cmpf oeq, %concatenate3A_54, %squeeze3A : vector<15x128xf32>
    %and3A_60 = arith.andi %eq3A_59, %ge3A_57 : vector<15x128xi1>
    %or3A_61 = arith.ori %gt3A_58, %and3A_60 : vector<15x128xi1>
    %convert_element_type3A_62 = arith.extui %or3A_61 : vector<15x128xi1> to vector<15x128xi32>
    %convert_element_type3A_63 = arith.sitofp %convert_element_type3A_62 : vector<15x128xi32> to vector<15x128xf32>
    %add3A_64 = arith.addf %add3A_51, %convert_element_type3A_63 : vector<15x128xf32>
    %slice3A_65 = vector.extract_strided_slice %squeeze3A {offsets = [5, 0], sizes = [10, 128], strides = [1, 1]} : vector<15x128xf32> to vector<10x128xf32>
    %slice3A_66 = vector.extract_strided_slice %squeeze3A {offsets = [0, 0], sizes = [5, 128], strides = [1, 1]} : vector<15x128xf32> to vector<5x128xf32>
    %concatenate3A_67 = tpu.concatenate %slice3A_65, %slice3A_66 in 0 : vector<10x128xf32>, vector<5x128xf32> -> vector<15x128xf32>
    %ge3A_68 = arith.constant 10 : i32
    %ge3A_69 = vector.broadcast %ge3A_68 : i32 to vector<15x128xi32>
    %ge3A_70 = arith.cmpi sge, %iota3A, %ge3A_69 : vector<15x128xi32>
    %gt3A_71 = arith.cmpf ogt, %concatenate3A_67, %squeeze3A : vector<15x128xf32>
    %eq3A_72 = arith.cmpf oeq, %concatenate3A_67, %squeeze3A : vector<15x128xf32>
    %and3A_73 = arith.andi %eq3A_72, %ge3A_70 : vector<15x128xi1>
    %or3A_74 = arith.ori %gt3A_71, %and3A_73 : vector<15x128xi1>
    %convert_element_type3A_75 = arith.extui %or3A_74 : vector<15x128xi1> to vector<15x128xi32>
    %convert_element_type3A_76 = arith.sitofp %convert_element_type3A_75 : vector<15x128xi32> to vector<15x128xf32>
    %add3A_77 = arith.addf %add3A_64, %convert_element_type3A_76 : vector<15x128xf32>
    %slice3A_78 = vector.extract_strided_slice %squeeze3A {offsets = [6, 0], sizes = [9, 128], strides = [1, 1]} : vector<15x128xf32> to vector<9x128xf32>
    %slice3A_79 = vector.extract_strided_slice %squeeze3A {offsets = [0, 0], sizes = [6, 128], strides = [1, 1]} : vector<15x128xf32> to vector<6x128xf32>
    %concatenate3A_80 = tpu.concatenate %slice3A_78, %slice3A_79 in 0 : vector<9x128xf32>, vector<6x128xf32> -> vector<15x128xf32>
    %ge3A_81 = arith.constant 9 : i32
    %ge3A_82 = vector.broadcast %ge3A_81 : i32 to vector<15x128xi32>
    %ge3A_83 = arith.cmpi sge, %iota3A, %ge3A_82 : vector<15x128xi32>
    %gt3A_84 = arith.cmpf ogt, %concatenate3A_80, %squeeze3A : vector<15x128xf32>
    %eq3A_85 = arith.cmpf oeq, %concatenate3A_80, %squeeze3A : vector<15x128xf32>
    %and3A_86 = arith.andi %eq3A_85, %ge3A_83 : vector<15x128xi1>
    %or3A_87 = arith.ori %gt3A_84, %and3A_86 : vector<15x128xi1>
    %convert_element_type3A_88 = arith.extui %or3A_87 : vector<15x128xi1> to vector<15x128xi32>
    %convert_element_type3A_89 = arith.sitofp %convert_element_type3A_88 : vector<15x128xi32> to vector<15x128xf32>
    %add3A_90 = arith.addf %add3A_77, %convert_element_type3A_89 : vector<15x128xf32>
    %slice3A_91 = vector.extract_strided_slice %squeeze3A {offsets = [7, 0], sizes = [8, 128], strides = [1, 1]} : vector<15x128xf32> to vector<8x128xf32>
    %slice3A_92 = vector.extract_strided_slice %squeeze3A {offsets = [0, 0], sizes = [7, 128], strides = [1, 1]} : vector<15x128xf32> to vector<7x128xf32>
    %concatenate3A_93 = tpu.concatenate %slice3A_91, %slice3A_92 in 0 : vector<8x128xf32>, vector<7x128xf32> -> vector<15x128xf32>
    %ge3A_94 = arith.constant 8 : i32
    %ge3A_95 = vector.broadcast %ge3A_94 : i32 to vector<15x128xi32>
    %ge3A_96 = arith.cmpi sge, %iota3A, %ge3A_95 : vector<15x128xi32>
    %gt3A_97 = arith.cmpf ogt, %concatenate3A_93, %squeeze3A : vector<15x128xf32>
    %eq3A_98 = arith.cmpf oeq, %concatenate3A_93, %squeeze3A : vector<15x128xf32>
    %and3A_99 = arith.andi %eq3A_98, %ge3A_96 : vector<15x128xi1>
    %or3A_100 = arith.ori %gt3A_97, %and3A_99 : vector<15x128xi1>
    %convert_element_type3A_101 = arith.extui %or3A_100 : vector<15x128xi1> to vector<15x128xi32>
    %convert_element_type3A_102 = arith.sitofp %convert_element_type3A_101 : vector<15x128xi32> to vector<15x128xf32>
    %add3A_103 = arith.addf %add3A_90, %convert_element_type3A_102 : vector<15x128xf32>
    %slice3A_104 = vector.extract_strided_slice %squeeze3A {offsets = [8, 0], sizes = [7, 128], strides = [1, 1]} : vector<15x128xf32> to vector<7x128xf32>
    %slice3A_105 = vector.extract_strided_slice %squeeze3A {offsets = [0, 0], sizes = [8, 128], strides = [1, 1]} : vector<15x128xf32> to vector<8x128xf32>
    %concatenate3A_106 = tpu.concatenate %slice3A_104, %slice3A_105 in 0 : vector<7x128xf32>, vector<8x128xf32> -> vector<15x128xf32>
    %ge3A_107 = arith.constant 7 : i32
    %ge3A_108 = vector.broadcast %ge3A_107 : i32 to vector<15x128xi32>
    %ge3A_109 = arith.cmpi sge, %iota3A, %ge3A_108 : vector<15x128xi32>
    %gt3A_110 = arith.cmpf ogt, %concatenate3A_106, %squeeze3A : vector<15x128xf32>
    %eq3A_111 = arith.cmpf oeq, %concatenate3A_106, %squeeze3A : vector<15x128xf32>
    %and3A_112 = arith.andi %eq3A_111, %ge3A_109 : vector<15x128xi1>
    %or3A_113 = arith.ori %gt3A_110, %and3A_112 : vector<15x128xi1>
    %convert_element_type3A_114 = arith.extui %or3A_113 : vector<15x128xi1> to vector<15x128xi32>
    %convert_element_type3A_115 = arith.sitofp %convert_element_type3A_114 : vector<15x128xi32> to vector<15x128xf32>
    %add3A_116 = arith.addf %add3A_103, %convert_element_type3A_115 : vector<15x128xf32>
    %slice3A_117 = vector.extract_strided_slice %squeeze3A {offsets = [9, 0], sizes = [6, 128], strides = [1, 1]} : vector<15x128xf32> to vector<6x128xf32>
    %slice3A_118 = vector.extract_strided_slice %squeeze3A {offsets = [0, 0], sizes = [9, 128], strides = [1, 1]} : vector<15x128xf32> to vector<9x128xf32>
    %concatenate3A_119 = tpu.concatenate %slice3A_117, %slice3A_118 in 0 : vector<6x128xf32>, vector<9x128xf32> -> vector<15x128xf32>
    %ge3A_120 = arith.constant 6 : i32
    %ge3A_121 = vector.broadcast %ge3A_120 : i32 to vector<15x128xi32>
    %ge3A_122 = arith.cmpi sge, %iota3A, %ge3A_121 : vector<15x128xi32>
    %gt3A_123 = arith.cmpf ogt, %concatenate3A_119, %squeeze3A : vector<15x128xf32>
    %eq3A_124 = arith.cmpf oeq, %concatenate3A_119, %squeeze3A : vector<15x128xf32>
    %and3A_125 = arith.andi %eq3A_124, %ge3A_122 : vector<15x128xi1>
    %or3A_126 = arith.ori %gt3A_123, %and3A_125 : vector<15x128xi1>
    %convert_element_type3A_127 = arith.extui %or3A_126 : vector<15x128xi1> to vector<15x128xi32>
    %convert_element_type3A_128 = arith.sitofp %convert_element_type3A_127 : vector<15x128xi32> to vector<15x128xf32>
    %add3A_129 = arith.addf %add3A_116, %convert_element_type3A_128 : vector<15x128xf32>
    %slice3A_130 = vector.extract_strided_slice %squeeze3A {offsets = [10, 0], sizes = [5, 128], strides = [1, 1]} : vector<15x128xf32> to vector<5x128xf32>
    %slice3A_131 = vector.extract_strided_slice %squeeze3A {offsets = [0, 0], sizes = [10, 128], strides = [1, 1]} : vector<15x128xf32> to vector<10x128xf32>
    %concatenate3A_132 = tpu.concatenate %slice3A_130, %slice3A_131 in 0 : vector<5x128xf32>, vector<10x128xf32> -> vector<15x128xf32>
    %ge3A_133 = arith.constant 5 : i32
    %ge3A_134 = vector.broadcast %ge3A_133 : i32 to vector<15x128xi32>
    %ge3A_135 = arith.cmpi sge, %iota3A, %ge3A_134 : vector<15x128xi32>
    %gt3A_136 = arith.cmpf ogt, %concatenate3A_132, %squeeze3A : vector<15x128xf32>
    %eq3A_137 = arith.cmpf oeq, %concatenate3A_132, %squeeze3A : vector<15x128xf32>
    %and3A_138 = arith.andi %eq3A_137, %ge3A_135 : vector<15x128xi1>
    %or3A_139 = arith.ori %gt3A_136, %and3A_138 : vector<15x128xi1>
    %convert_element_type3A_140 = arith.extui %or3A_139 : vector<15x128xi1> to vector<15x128xi32>
    %convert_element_type3A_141 = arith.sitofp %convert_element_type3A_140 : vector<15x128xi32> to vector<15x128xf32>
    %add3A_142 = arith.addf %add3A_129, %convert_element_type3A_141 : vector<15x128xf32>
    %slice3A_143 = vector.extract_strided_slice %squeeze3A {offsets = [11, 0], sizes = [4, 128], strides = [1, 1]} : vector<15x128xf32> to vector<4x128xf32>
    %slice3A_144 = vector.extract_strided_slice %squeeze3A {offsets = [0, 0], sizes = [11, 128], strides = [1, 1]} : vector<15x128xf32> to vector<11x128xf32>
    %concatenate3A_145 = tpu.concatenate %slice3A_143, %slice3A_144 in 0 : vector<4x128xf32>, vector<11x128xf32> -> vector<15x128xf32>
    %ge3A_146 = arith.constant 4 : i32
    %ge3A_147 = vector.broadcast %ge3A_146 : i32 to vector<15x128xi32>
    %ge3A_148 = arith.cmpi sge, %iota3A, %ge3A_147 : vector<15x128xi32>
    %gt3A_149 = arith.cmpf ogt, %concatenate3A_145, %squeeze3A : vector<15x128xf32>
    %eq3A_150 = arith.cmpf oeq, %concatenate3A_145, %squeeze3A : vector<15x128xf32>
    %and3A_151 = arith.andi %eq3A_150, %ge3A_148 : vector<15x128xi1>
    %or3A_152 = arith.ori %gt3A_149, %and3A_151 : vector<15x128xi1>
    %convert_element_type3A_153 = arith.extui %or3A_152 : vector<15x128xi1> to vector<15x128xi32>
    %convert_element_type3A_154 = arith.sitofp %convert_element_type3A_153 : vector<15x128xi32> to vector<15x128xf32>
    %add3A_155 = arith.addf %add3A_142, %convert_element_type3A_154 : vector<15x128xf32>
    %slice3A_156 = vector.extract_strided_slice %squeeze3A {offsets = [12, 0], sizes = [3, 128], strides = [1, 1]} : vector<15x128xf32> to vector<3x128xf32>
    %slice3A_157 = vector.extract_strided_slice %squeeze3A {offsets = [0, 0], sizes = [12, 128], strides = [1, 1]} : vector<15x128xf32> to vector<12x128xf32>
    %concatenate3A_158 = tpu.concatenate %slice3A_156, %slice3A_157 in 0 : vector<3x128xf32>, vector<12x128xf32> -> vector<15x128xf32>
    %ge3A_159 = arith.constant 3 : i32
    %ge3A_160 = vector.broadcast %ge3A_159 : i32 to vector<15x128xi32>
    %ge3A_161 = arith.cmpi sge, %iota3A, %ge3A_160 : vector<15x128xi32>
    %gt3A_162 = arith.cmpf ogt, %concatenate3A_158, %squeeze3A : vector<15x128xf32>
    %eq3A_163 = arith.cmpf oeq, %concatenate3A_158, %squeeze3A : vector<15x128xf32>
    %and3A_164 = arith.andi %eq3A_163, %ge3A_161 : vector<15x128xi1>
    %or3A_165 = arith.ori %gt3A_162, %and3A_164 : vector<15x128xi1>
    %convert_element_type3A_166 = arith.extui %or3A_165 : vector<15x128xi1> to vector<15x128xi32>
    %convert_element_type3A_167 = arith.sitofp %convert_element_type3A_166 : vector<15x128xi32> to vector<15x128xf32>
    %add3A_168 = arith.addf %add3A_155, %convert_element_type3A_167 : vector<15x128xf32>
    %slice3A_169 = vector.extract_strided_slice %squeeze3A {offsets = [13, 0], sizes = [2, 128], strides = [1, 1]} : vector<15x128xf32> to vector<2x128xf32>
    %slice3A_170 = vector.extract_strided_slice %squeeze3A {offsets = [0, 0], sizes = [13, 128], strides = [1, 1]} : vector<15x128xf32> to vector<13x128xf32>
    %concatenate3A_171 = tpu.concatenate %slice3A_169, %slice3A_170 in 0 : vector<2x128xf32>, vector<13x128xf32> -> vector<15x128xf32>
    %ge3A_172 = arith.constant 2 : i32
    %ge3A_173 = vector.broadcast %ge3A_172 : i32 to vector<15x128xi32>
    %ge3A_174 = arith.cmpi sge, %iota3A, %ge3A_173 : vector<15x128xi32>
    %gt3A_175 = arith.cmpf ogt, %concatenate3A_171, %squeeze3A : vector<15x128xf32>
    %eq3A_176 = arith.cmpf oeq, %concatenate3A_171, %squeeze3A : vector<15x128xf32>
    %and3A_177 = arith.andi %eq3A_176, %ge3A_174 : vector<15x128xi1>
    %or3A_178 = arith.ori %gt3A_175, %and3A_177 : vector<15x128xi1>
    %convert_element_type3A_179 = arith.extui %or3A_178 : vector<15x128xi1> to vector<15x128xi32>
    %convert_element_type3A_180 = arith.sitofp %convert_element_type3A_179 : vector<15x128xi32> to vector<15x128xf32>
    %add3A_181 = arith.addf %add3A_168, %convert_element_type3A_180 : vector<15x128xf32>
    %slice3A_182 = vector.extract_strided_slice %squeeze3A {offsets = [14, 0], sizes = [1, 128], strides = [1, 1]} : vector<15x128xf32> to vector<1x128xf32>
    %slice3A_183 = vector.extract_strided_slice %squeeze3A {offsets = [0, 0], sizes = [14, 128], strides = [1, 1]} : vector<15x128xf32> to vector<14x128xf32>
    %concatenate3A_184 = tpu.concatenate %slice3A_182, %slice3A_183 in 0 : vector<1x128xf32>, vector<14x128xf32> -> vector<15x128xf32>
    %ge3A_185 = arith.constant 1 : i32
    %ge3A_186 = vector.broadcast %ge3A_185 : i32 to vector<15x128xi32>
    %ge3A_187 = arith.cmpi sge, %iota3A, %ge3A_186 : vector<15x128xi32>
    %gt3A_188 = arith.cmpf ogt, %concatenate3A_184, %squeeze3A : vector<15x128xf32>
    %eq3A_189 = arith.cmpf oeq, %concatenate3A_184, %squeeze3A : vector<15x128xf32>
    %and3A_190 = arith.andi %eq3A_189, %ge3A_187 : vector<15x128xi1>
    %or3A_191 = arith.ori %gt3A_188, %and3A_190 : vector<15x128xi1>
    %convert_element_type3A_192 = arith.extui %or3A_191 : vector<15x128xi1> to vector<15x128xi32>
    %convert_element_type3A_193 = arith.sitofp %convert_element_type3A_192 : vector<15x128xi32> to vector<15x128xf32>
    %add3A_194 = arith.addf %add3A_181, %convert_element_type3A_193 : vector<15x128xf32>
    %lt3A = arith.constant 8.000000e+00 : f32
    %lt3A_195 = vector.broadcast %lt3A : f32 to vector<15x128xf32>
    %lt3A_196 = arith.cmpf olt, %add3A_194, %lt3A_195 : vector<15x128xf32>
    %convert_element_type3A_197 = arith.extui %lt3A_196 : vector<15x128xi1> to vector<15x128xi32>
    %convert_element_type3A_198 = arith.sitofp %convert_element_type3A_197 : vector<15x128xi32> to vector<15x128xf32>
    %get3A_199 = arith.constant 0 : index
    %get3A_200 = arith.constant 0 : index
    %get3A_201 = vector.load %arg3[%get3A_199, %get3A_200] : memref<128x5760xf32, #tpu.memory_space<vmem>>, vector<128x5760xf32>
    %dot_general3A = arith.constant dense<0.000000e+00> : vector<15x5760xf32>
    %dot_general3A_202 = tpu.matmul %convert_element_type3A_198, %get3A_201, %dot_general3A {dimension_numbers = #tpu.dot_dimension_numbers<[1], [0], [0], [1], [0, 0, 1, 1], [], []>, transpose_lhs_hint = false} : vector<15x128xf32>, vector<128x5760xf32>, vector<15x5760xf32> -> vector<15x5760xf32>
    %get3A_203 = arith.constant 0 : index
    %get3A_204 = arith.constant 0 : index
    %get3A_205 = vector.load %arg4[%get3A_203, %get3A_204] : memref<15x5760xf32, #tpu.memory_space<vmem>>, vector<15x5760xf32>
    %mul3A_206 = arith.mulf %dot_general3A_202, %get3A_205 : vector<15x5760xf32>
    %reduce_sum3A_207 = arith.constant dense<0.000000e+00> : vector<5760xf32>
    %reduce_sum3A_208 = vector.multi_reduction <add>, %mul3A_206, %reduce_sum3A_207 [0] : vector<15x5760xf32> to vector<5760xf32>
    %broadcast_in_dim3A_209 = vector.shape_cast %reduce_sum3A_208 : vector<5760xf32> to vector<1x5760xf32>
    %broadcast_in_dim3A_210 = vector.shape_cast %broadcast_in_dim3A_209 : vector<1x5760xf32> to vector<1x5760xf32>
    %broadcast_in_dim3A_211 = vector.broadcast %broadcast_in_dim3A_210 : vector<1x5760xf32> to vector<8x5760xf32>
    %swap3A = arith.constant 0 : index
    %swap3A_212 = arith.constant 0 : index
    %swap3A_213 = arith.constant 0 : index
    %swap3A_214 = vector.load %arg2[%swap3A, %swap3A_212, %swap3A_213] : memref<1x8x5760xf32, #tpu.memory_space<vmem>>, vector<1x8x5760xf32>
    %swap3A_215 = vector.shape_cast %swap3A_214 : vector<1x8x5760xf32> to vector<8x5760xf32>
    %swap3A_216 = vector.shape_cast %broadcast_in_dim3A_211 : vector<8x5760xf32> to vector<1x8x5760xf32>
    tpu.vector_store %arg2[%swap3A, %swap3A_212, %swap3A_213], %swap3A_216 {strides = array<i32>} : memref<1x8x5760xf32, #tpu.memory_space<vmem>>, vector<1x8x5760xf32>,
    return
  }
  func.func @transform_0(%arg0: i32) -> (i32, i32, i32, i32, i32) {
    %c0_i32 = arith.constant 0 : i32
    %c0_i32_0 = arith.constant 0 : i32
    %c0_i32_1 = arith.constant 0 : i32
    %c0_i32_2 = arith.constant 0 : i32
    %c0_i32_3 = arith.constant 0 : i32
    return %arg0, %c0_i32, %c0_i32_0, %c0_i32_1, %c0_i32_2 : i32, i32, i32, i32, i32
  }
  func.func @transform_1(%arg0: i32) -> (i32, i32, i32) {
    %c0_i32 = arith.constant 0 : i32
    %c0_i32_0 = arith.constant 0 : i32
    %c0_i32_1 = arith.constant 0 : i32
    return %arg0, %c0_i32, %c0_i32_0 : i32, i32, i32
  }
}

</mosaic_0001>

<sc_bundles>
// kernel: kernel.4.cloned.1.call-start
scs
__scs_entry_jumppad:
0x0: {  	(pc) =	sbr.rel $0x88, $3  }
0x1: {  	(tag) =	ssettag $0x0;
	lr =	simm.s32 $0x1  }
0x2: {  	[smem:$0x3F9F] =	sst lr;
	_ =	strace $0xD0000000  }
0x3: {  	_ = 	snop  }
0x4: {  	_ = 	snop  }
0x5: {  	_ = 	snop  }
0x6: {  	_ = 	snop  }
0x7: {  	_ = 	snop  }
__scs_overlays_trampoline_lowered:
0x8: {  	[smem:$0x3FAE] =	sst s0  }
0x9: {  	[smem:$0x3FAF] =	sst s1  }
0xa: {  	[smem:$0x3FB0] =	sst s2  }
0xb: {  	[smem:$0x3FB1] =	sst s3  }
0xc: {  	[smem:$0x3FB2] =	sst s4  }
0xd: {  	[smem:$0x3FB3] =	sst s5  }
0xe: {  	[smem:$0x3FB4] =	sst s6  }
0xf: {  	[smem:$0x3FB5] =	sst s7  }
0x10: {  	[smem:$0x3FB6] =	sst s8  }
0x11: {  	[smem:$0x3FB7] =	sst s9;
	s0 =	simm.s32 @!p0 $0x0  }
0x12: {  	s1 =	sld [smem:$0x3F9D];
	s0 =	simm.s32 @p0 $0x1  }
0x13: {  	[smem:$0x3FB8] =	sst s0;
	s0 =	simm.s32 @!p1 $0x0  }
0x14: {  	s2 =	sld [smem:$0x3F9C];
	s0 =	simm.s32 @p1 $0x1  }
0x15: {  	[smem:$0x3FB9] =	sst s0;
	s0 =	simm.s32 @!p2 $0x0  }
0x16: {  	s3 =	sld [smem:$0x3FDB];
	s0 =	simm.s32 @p2 $0x1  }
0x17: {  	s4 =	simm.s32 $0x1BF5;
	[smem:$0x3FBB] =	sst s0  }
0x18: {  	s0 =	sld [smem:$0x3F9E];
	_ =	swait.ge [sflag:s4], $0x0  }
0x19: {  	s7 =	sld [smem:$0x3F9F]  }
0x1a: {  	s8 =	sadd.s32 $0xFFFFE003, lr  }
0x1b: {  	s9 =	sadd.s32 $0xFFFFFEF7, lr;
	s5 =	simm.s32 $0xFFFFFFFF;
	p2 =	slt.u32 s8, $0xFFFFF086  }
0x1c: {  	p1 =	slt.u32 s9, $0xF7A;
	s5 =	simm.s32 @!p2 $0x0  }
0x1d: {  	s5 =	simm.s32 @p1 $0x1;
	p0 =	seq.s32 s7, s2  }
0x1e: {  	s7 =	smul.u32 @!p0 $0xF7A, s2;
	p2 =	seq.s32 @!p0 s5, $0x0  }
0x1f: {  	s9 =	smul.u32 $0xF7A, s1;
	s8 =	simm.s32 @!p0 $0x1BF5;
	p2 =	por !p2, p0  }
0x20: {  	[sflag:s8] =	ssyncset.s32 @!p0 $0xFFFFF086;
	s6 =	sadd.s32 @!p0 s3, s7;
	s7 =	simm.s32 @!p0 $0x108  }
0x21: {  	s3 =	sadd.s32 s3, s9;
	s6 =	sadd.s32 @!p0 $0x88, s6;
	s7 =	simm.s32 @p2 $0x1082  }
0x22: {  	[simem:s7], [sflag:s8] =	dma.local @!p0 [hbm:s6], $0xF7A  }
0x23: {  	s9 =	sor.u32 $0xD0000000, s2;
	s6 =	simm.s32 $0x108;
	_ =	swait.ge @!p0 [sflag:s8], $0x0  }
0x24: {  	s3 =	sadd.s32 $0x88, s3;
	s6 =	simm.s32 @!p1 $0x1082;
	[sflag:s4] =	ssyncset.s32 $0xFFFFF086  }
0x25: {  	[simem:s6], [sflag:s4] =	dma.local [hbm:s3], $0xF7A  }
0x26: {  	[smem:$0x3F9F] =	sst s1;
	(tag) =	ssettag s2;
	_ =	strace s9  }
0x27: {  	s1 =	sld [smem:$0x3FAF]  }
0x28: {  	s2 =	sld [smem:$0x3FB0]  }
0x29: {  	s4 =	sld [smem:$0x3FB2]  }
0x2a: {  	p0 =	seq.s32 s5, $0x0;
	s5 =	sld [smem:$0x3FB3]  }
0x2b: {  	s6 =	sld [smem:$0x3FB4]  }
0x2c: {  	s7 =	sld [smem:$0x3FB5]  }
0x2d: {  	s3 =	simm.s32 $0x108;
	s8 =	sld [smem:$0x3FB6]  }
0x2e: {  	s3 =	simm.s32 @!p0 $0x1082;
	s9 =	sld [smem:$0x3FB7]  }
0x2f: {  	lr =	sadd.s32 s0, s3;
	s0 =	sld [smem:$0x3FAE]  }
0x30: {  	s3 =	sld [smem:$0x3FB1]  }
0x31: {  	[smem:$0x3FBA] =	sst s10  }
0x32: {  	s10 =	sld [smem:$0x3FB8];
	_ =	sdelay $0x3  }
0x33: {  	p0 =	seq.s32 s10, $0x1;
	s10 =	sld [smem:$0x3FBA];
	_ =	sdelay $0x3  }
0x34: {  	[smem:$0x3FBA] =	sst s10  }
0x35: {  	s10 =	sld [smem:$0x3FB9];
	_ =	sdelay $0x3  }
0x36: {  	p1 =	seq.s32 s10, $0x1;
	s10 =	sld [smem:$0x3FBA];
	_ =	sdelay $0x3  }
0x37: {  	[smem:$0x3FBA] =	sst s10  }
0x38: {  	s10 =	sld [smem:$0x3FBB]  }
0x39: {  	_ = 	snop;
	(pc) =	sbr.ind lr, $3  }
0x3a: {  	_ = 	snop  }
0x3b: {  	_ = 	snop  }
0x3c: {  	p2 =	seq.s32 s10, $0x1;
	s10 =	sld [smem:$0x3FBA]  }
0x3d: {  	_ =	shalt  }
0x3e: {  	_ =	shalt  }
0x3f: {  	_ =	shalt  }
0x40: {  	_ =	shalt  }
0x41: {  	_ =	shalt  }
0x42: {  	_ =	shalt  }
0x43: {  	_ =	shalt  }
0x44: {  	_ =	shalt  }
0x45: {  	_ =	shalt  }
0x46: {  	_ =	shalt  }
0x47: {  	_ =	shalt  }
0x48: {  	_ =	shalt  }
0x49: {  	_ =	shalt  }
0x4a: {  	_ =	shalt  }
0x4b: {  	_ =	shalt  }
0x4c: {  	_ =	shalt  }
0x4d: {  	_ =	shalt  }
0x4e: {  	_ =	shalt  }
0x4f: {  	_ =	shalt  }
0x50: {  	_ =	shalt  }
0x51: {  	_ =	shalt  }
0x52: {  	_ =	shalt  }
0x53: {  	_ =	shalt  }
0x54: {  	_ =	shalt  }
0x55: {  	_ =	shalt  }
0x56: {  	_ =	shalt  }
0x57: {  	_ =	shalt  }
0x58: {  	_ =	shalt  }
0x59: {  	_ =	shalt  }
0x5a: {  	_ =	shalt  }
0x5b: {  	_ =	shalt  }
0x5c: {  	_ =	shalt  }
0x5d: {  	_ =	shalt  }
0x5e: {  	_ =	shalt  }
0x5f: {  	_ =	shalt  }
0x60: {  	_ =	shalt  }
0x61: {  	_ =	shalt  }
0x62: {  	_ =	shalt  }
0x63: {  	_ =	shalt  }
0x64: {  	_ =	shalt  }
0x65: {  	_ =	shalt  }
0x66: {  	_ =	shalt  }
0x67: {  	_ =	shalt  }
0x68: {  	_ =	shalt  }
0x69: {  	_ =	shalt  }
0x6a: {  	_ =	shalt  }
0x6b: {  	_ =	shalt  }
0x6c: {  	_ =	shalt  }
0x6d: {  	_ =	shalt  }
0x6e: {  	_ =	shalt  }
0x6f: {  	_ =	shalt  }
0x70: {  	_ =	shalt  }
0x71: {  	_ =	shalt  }
0x72: {  	_ =	shalt  }
0x73: {  	_ =	shalt  }
0x74: {  	_ =	shalt  }
0x75: {  	_ =	shalt  }
0x76: {  	_ =	shalt  }
0x77: {  	_ =	shalt  }
0x78: {  	_ =	shalt  }
0x79: {  	_ =	shalt  }
0x7a: {  	_ =	shalt  }
0x7b: {  	_ =	shalt  }
0x7c: {  	_ =	shalt  }
0x7d: {  	_ =	shalt  }
0x7e: {  	_ =	shalt  }
0x7f: {  	_ =	shalt  }
0x80: {  	_ =	shalt  }
0x81: {  	_ =	shalt  }
0x82: {  	_ =	shalt  }
0x83: {  	_ =	shalt  }
0x84: {  	_ =	shalt  }
0x85: {  	_ =	shalt  }
0x86: {  	_ =	shalt  }
0x87: {  	_ =	shalt  }
.Lfunc_end0:
.L_simem_size_0:
called_computation_lowered:
.L_overlay_start_0:
0x88: {  	s2 =	sld [smem:$0x3FD9]  }
0x89: {  	s3 =	sld [smem:$0x3FFE];
	_ =	sdelay $0x1  }
0x8a: {  	s1 =	srdreg.scid  }
0x8b: {  	s0 =	sand.u32 $0x1, s1  }
0x8c: {  	s17 =	sshll.u32 s0, $0xA;
	s2 =	sadd.s32 s3, s2  }
0x8d: {  	s2 =	sadd.s32 s2, s17  }
0x8e: {  	[smem:$0x3FC6] =	sst s2  }
0x8f: {  	_ = 	snop  }
0x90: {  	s2 =	sld [smem:$0x3FC8]  }
0x91: {  	s18 =	sld [smem:$0x3FD0];
	(tm) =	ssettm $0x1  }
0x92: {  	s4 =	sld [smem:$0x3FFB];
	_ =	sdelay $0x3  }
0x93: {  	_ =	strace s4  }
0x94: {  	s4 =	sld [smem:$0x3FFC];
	_ =	sdelay $0x3  }
0x95: {  	_ =	strace s4  }
0x96: {  	s4 =	sld [smem:$0x3FFD];
	_ =	sdelay $0x3  }
0x97: {  	_ =	strace s4  }
0x98: {  	_ =	strace $0x8FFFFFFF  }
0x99: {  	s19 =	sld [smem:$0x3FDB];
	_ =	sdelay $0x1  }
0x9a: {  	s5 =	simm.s32 $_scs_section_size  }
0x9b: {  	s6 =	simm.s32 $_size__tile_overlayer_lowered;
	s7 =	simm.s32 $_tile_overlayer_lowered  }
0x9c: {  	s22 =	simm.s32 $0x1BFF;
	s21 =	sshll.u32 s7, $0x1;
	s4 =	sadd.s32 s5, s19  }
0x9d: {  	s8 =	simm.s32 $0x0;
	s20 =	sshll.u32 s6, $0x1;
	s6 =	sadd.s32 s21, s4  }
0x9e: {  	[timem:s8], [sflag:s22] =	dma.local [hbm:s6], s20  }
0x9f: {  	_ =	swait.ge [sflag:s22], s20  }
0xa0: {  	s5 =	ssub.s32 $0x0, s20;
	[sflag:s22] =	ssyncset.done $0x0  }
0xa1: {  	[sflag:s22] =	ssyncadd.s32 s5;
	_ =	sdelay $0x1  }
0xa2: {  	s23 =	simm.s32 $0x1B8B  }
0xa3: {  	_ =	swait.ge [sflag:s23], $0x1  }
0xa4: {  	[sflag:s23] =	ssyncset.done $0x0  }
0xa5: {  	s25 =	simm.s32 $0x1B8E;
	s24 =	sld [smem:$0x3FFE];
	[sflag:s23] =	ssyncadd.s32 $0xFFFFFFFF  }
0xa6: {  	s26 =	simm.s32 $execute0_lowered;
	[smem:$0x3FD2] =	sst s25  }
0xa7: {  	s6 =	sshll.u32 s26, $0x1;
	_ =	strace $0x80000046;
	[dreg:$0x1] =	wrdreg $0xFFFFFFFF  }
0xa8: {  	s28 =	simm.s32 $_size_execute0_lowered;
	s4 =	sadd.s32 s4, s6;
	[dreg:$0x0] =	wrdreg $0x0  }
0xa9: {  	s6 =	sshll.u32 s28, $0x1;
	[dreg:$0x2] =	wrdreg s4  }
0xaa: {  	[dreg:$0x3] =	wrdreg s6  }
0xab: {  	[dreg:$0x4] =	wrdreg $0xC0  }
0xac: {  	_ =	task [dreg:s8], $0x5FFFF  }
0xad: {  	[dreg:$0x1] =	wrdreg $0xFFFFFFFF  }
0xae: {  	[dreg:$0x0] =	wrdreg $0x60  }
0xaf: {  	[dreg:$0x2] =	wrdreg s2  }
0xb0: {  	[dreg:$0x3] =	wrdreg s24  }
0xb1: {  	[dreg:$0x4] =	wrdreg s18  }
0xb2: {  	[dreg:$0x5] =	wrdreg $0x9  }
0xb3: {  	_ =	task.clear_ibuf [dreg:s8], $0x6FFFF;
	_ =	strace $0x90000046  }
0xb4: {  	s29 =	simm.s32 $0x9;
	_ =	strace $0x80000048  }
0xb5: {  	_ =	swait.ge [sflag:s29], $0x1  }
0xb6: {  	[sflag:s29] =	ssyncadd.s32 $0xFFFFFFFF  }
0xb7: {  	_ =	strace $0x90000048  }
0xb8: {  	_ =	sfence  }
0xb9: {  	s30 =	sld [smem:$0x0];
	_ =	sdelay $0x2  }
0xba: {  	s31 =	sshll.u32 s1, $0xD;
	s1 =	sshrl.u32 s1, $0x2  }
0xbb: {  	s3 =	sand.u32 $0x4000, s31;
	s1 =	sadd.s32 s1, s30  }
0xbc: {  	s0 =	sor.u32 s3, s0;
	s1 =	sshll.u32 s1, $0x11  }
0xbd: {  	s0 =	sor.u32 s1, s0  }
0xbe: {  	s0 =	sadd.s32 $0x8F2B, s0  }
0xbf: {  	[sflag:s0] =	ssyncadd.remote.s32 $0x1  }
0xc0: {  	_ =	sfence.sel $0xFFFF  }
0xc1: {  	[dreg:$0x0] =	wrdreg $0xFFFFFFFF;
	(pc) =	sbr.abs _section_cstart, $3  }
0xc2: {  	[dreg:$0x1] =	wrdreg $0xFFFFFFFF  }
0xc3: {  	_ =	task.clear_ibuf [dreg:s8], $0x2FFFF;
	_ =	strace $0x9FFFFFFF  }
0xc4: {  	(tm) =	ssettm $0x7FFFFFFF  }
0xc5: {  	_ =	shalt  }
tec
execute0_lowered:
.L_overlay_start_1:
0x0: {  	(tag) =	ssettag $0x1  }
0x1: {  	s1 =	rddreg [dreg:$0x0]  }
0x2: {  	s5 =	rddreg [dreg:$0x1]  }
0x3: {  	s3 =	rddreg [dreg:$0x2];
	s6 =	srdreg.scid  }
0x4: {  	s0 =	rddreg [dreg:$0x3];
	s2 =	stileid.u32;
	s6 =	sand.u32 $0x1, s6  }
0x5: {  	s4 =	simm.s32 $0x0;
	s7 =	sshll.u32 s2, $0x2;
	s8 =	sshll.u32 s6, $0x1  }
0x6: {  	[smem:$0x7FF] =	sst s4;
	s6 =	ssub.s32 $0x2, s6;
	s7 =	sor.u32 s8, s7  }
0x7: {  	s10 =	sadd.s32 $0x600, s5;
	s31 =	sshrl.u32 s6, $0x1;
	s8 =	smul.u32 $0x1680, s7  }
0x8: {  	s9 =	sor.u32 $0x1, s7;
	s12 =	ssub.s32 s6, s31;
	s6 =	smul.u32 $0x5A000, s7  }
0x9: {  	_ =	strace $0x80000047;
	s11 =	smul.u32 $0x1680, s9;
	s5 =	sadd.s32 s10, s8  }
0xa: {  	s8 =	smul.u32 $0x5A000, s9;
	s9 =	smax.u32 s12, $0x1;
	s12 =	simm.s32 $0x0  }
0xb: {  	s7 =	sadd.s32 s10, s11;
	s10 =	simm.s32 $0xB400;
	s11 =	simm.s32 $0x1  }
.LBB2_1:
0xc: {  	[tilespmem:s10], [sflag:$0x1] =	stream.linear.gather [hbm4b:s5+s4], $0xB400, $0x38;
	[tilespmem:$0x16800] =	vst v63  }
0xd: {  	_ =	swait.ge [sflag:s11], $0xB400  }
0xe: {  	[sflag:s11] =	ssyncset.done $0x0  }
0xf: {  	s13 =	simm.s32 $0x0;
	[sflag:s11] =	ssyncadd.s32 $0xFFFF4C00  }
.LBB2_2:
0x10: {  	s14 =	smul.u32 $0xB400, s13;
	_ =	sdelay $0x1  }
0x11: {  	s14 =	sadd.s32 s6, s14  }
0x12: {  	s14 =	sshrl.u32 s14, $0x3  }
0x13: {  	s15 =	simm.s32 $0x0;
	s16 =	sadd.s32 s1, s14  }
0x14: {  	[tilespmem:s15], [sflag:$0x1] =	stream.linear.gather [hbm4b:s16+s15], $0xB400, $0x38;
	[tilespmem:$0x16800] =	vst v63  }
0x15: {  	_ =	swait.ge [sflag:s11], $0xB400  }
0x16: {  	s31 =	sand.u32 $0x70, s15;
	s17 =	sand.u32 $0xFC00, s15;
	[sflag:s11] =	ssyncset.done $0x0  }
0x17: {  	s16 =	sor.u32 s31, s17;
	[sflag:s11] =	ssyncadd.s32 $0xFFFF4C00  }
0x18: {  	v1 =	vld [tilespmem:s16+$0x180]  }
0x19: {  	v2 =	vld [tilespmem:s16+$0x200]  }
0x1a: {  	v3 =	vld [tilespmem:s16+$0x0]  }
0x1b: {  	v0 =	vld [tilespmem:s16+$0xB400]  }
0x1c: {  	v4 =	vld [tilespmem:s16+$0x80]  }
0x1d: {  	v5 =	vld [tilespmem:s16+$0x280]  }
0x1e: {  	v6 =	vld [tilespmem:s16+$0x100]  }
0x1f: {  	v7 =	vld [tilespmem:s16+$0x300]  }
0x20: {  	v3 =	vmul.f32 v3, v0  }
0x21: {  	v4 =	vmul.f32 v4, v0  }
0x22: {  	v5 =	vmul.f32 v5, v0;
	[tilespmem:s16+$0x0] =	vst v3  }
0x23: {  	s18 =	simm.s32 $0x0;
	v1 =	vmul.f32 v1, v0;
	v2 =	vmul.f32 v2, v0;
	[tilespmem:s16+$0x80] =	vst v4  }
0x24: {  	s19 =	simm.s32 $0x0;
	s20 =	sand.u32 $0x7, s15;
	s17 =	simm.s32 $0x10;
	v4 =	vmul.f32 v6, v0;
	v3 =	vmul.f32 v7, v0;
	[tilespmem:s16+$0x280] =	vst v5  }
.LBB2_3:
0x25: {  	s20 =	sshll.u32 s20, $0x4  }
0x26: {  	[tilespmem:s16+$0x100] =	vst v4;
	s15 =	sadd.s32 $0x80, s15;
	s18 =	sadd.s32 $0x1, s18;
	s21 =	smov.u32 s17  }
0x27: {  	p0 =	sne.s32 s17, $0x1670;
	s17 =	sadd.s32 $0x10, s17;
	s19 =	sadd.s32 s20, s19;
	[tilespmem:s16+$0x200] =	vst v2  }
0x28: {  	[tilespmem:s16+$0x180] =	vst v1;
	s20 =	sor.u32 $0x380, s19;
	s19 =	smov.u32 s15  }
0x29: {  	[tilespmem:s16+$0x300] =	vst v3  }
0x2a: {  	v1 =	vld [tilespmem:s20+$0x0];
	_ =	sdelay $0x4  }
0x2b: {  	s16 =	sand.u32 $0x70, s21;
	s21 =	sand.u32 $0xFC00, s15;
	v0 =	vmul.f32 v1, v0  }
0x2c: {  	s16 =	sor.u32 s16, s21  }
0x2d: {  	[tilespmem:s20+$0x0] =	vst v0  }
0x2e: {  	v1 =	vld [tilespmem:s16+$0x180]  }
0x2f: {  	v2 =	vld [tilespmem:s16+$0x200]  }
0x30: {  	v3 =	vld [tilespmem:s16+$0x280]  }
0x31: {  	v4 =	vld [tilespmem:s16+$0x0]  }
0x32: {  	v0 =	vld [tilespmem:s16+$0xB400]  }
0x33: {  	v5 =	vld [tilespmem:s16+$0x80]  }
0x34: {  	v6 =	vld [tilespmem:s16+$0x100]  }
0x35: {  	v7 =	vld [tilespmem:s16+$0x300];
	_ =	sdelay $0x1  }
.Ltmp0:
0x36: {  	v4 =	vmul.f32 v4, v0;
	v1 =	vmul.f32 v1, v0;
	(pc) =	sbr.rel @p0 .LBB2_3-.Ltmp0, $4  }
0x37: {  	v2 =	vmul.f32 v2, v0;
	v5 =	vmul.f32 v5, v0  }
0x38: {  	[tilespmem:s16+$0x0] =	vst v4;
	v4 =	vmul.f32 v6, v0;
	v6 =	vmul.f32 v3, v0  }
0x39: {  	[tilespmem:s16+$0x80] =	vst v5;
	v3 =	vmul.f32 v7, v0  }
0x3a: {  	s20 =	sand.u32 $0x7, s18;
	[tilespmem:s16+$0x280] =	vst v6  }
0x3b: {  	[tilespmem:s16+$0x100] =	vst v4  }
0x3c: {  	s15 =	sshll.u32 s20, $0x4;
	[tilespmem:s16+$0x200] =	vst v2  }
0x3d: {  	[tilespmem:s16+$0x180] =	vst v1;
	s15 =	sadd.s32 s15, s19  }
0x3e: {  	[tilespmem:s16+$0x300] =	vst v3;
	s15 =	sor.u32 $0x380, s15  }
0x3f: {  	v1 =	vld [tilespmem:s15+$0x0];
	_ =	sdelay $0x4  }
0x40: {  	s13 =	sadd.s32 $0x1, s13;
	v0 =	vmul.f32 v1, v0  }
0x41: {  	p0 =	sne.s32 s13, $0x8  }
.Ltmp1:
0x42: {  	s14 =	sadd.s32 s3, s14;
	[tilespmem:s15+$0x0] =	vst v0;
	(pc) =	sbr.rel @p0 .LBB2_2-.Ltmp1, $4  }
0x43: {  	[hbm4b:s14+s4] =	stream.linear.scatter [tilespmem:s4], [sflag:$0x1], $0xB400, $0x38;
	[tilespmem:$0x16800] =	vst v63  }
0x44: {  	_ =	swait.ge [sflag:s11], $0xB400  }
0x45: {  	[sflag:s11] =	ssyncset.done $0x0  }
0x46: {  	[sflag:s11] =	ssyncadd.s32 $0xFFFF4C00  }
0x47: {  	s13 =	simm.s32 $0x0  }
0x48: {  	[tilespmem:s10], [sflag:$0x1] =	stream.linear.gather [hbm4b:s7+s13], $0xB400, $0x38;
	[tilespmem:$0x16800] =	vst v63  }
0x49: {  	_ =	swait.ge [sflag:s11], $0xB400  }
0x4a: {  	[sflag:s11] =	ssyncset.done $0x0  }
0x4b: {  	s14 =	simm.s32 $0x0;
	[sflag:s11] =	ssyncadd.s32 $0xFFFF4C00  }
.LBB2_6:
0x4c: {  	s15 =	smul.u32 $0xB400, s14;
	_ =	sdelay $0x1  }
0x4d: {  	s15 =	sadd.s32 s8, s15  }
0x4e: {  	s15 =	sshrl.u32 s15, $0x3  }
0x4f: {  	s16 =	sadd.s32 s1, s15  }
0x50: {  	[tilespmem:s13], [sflag:$0x1] =	stream.linear.gather [hbm4b:s16+s13], $0xB400, $0x38;
	[tilespmem:$0x16800] =	vst v63  }
0x51: {  	_ =	swait.ge [sflag:s11], $0xB400  }
0x52: {  	s31 =	sand.u32 $0x70, s13;
	s17 =	sand.u32 $0xFC00, s13;
	[sflag:s11] =	ssyncset.done $0x0  }
0x53: {  	s16 =	sor.u32 s31, s17;
	[sflag:s11] =	ssyncadd.s32 $0xFFFF4C00  }
0x54: {  	v1 =	vld [tilespmem:s16+$0x180]  }
0x55: {  	v2 =	vld [tilespmem:s16+$0x200]  }
0x56: {  	v3 =	vld [tilespmem:s16+$0x0]  }
0x57: {  	v0 =	vld [tilespmem:s16+$0xB400]  }
0x58: {  	v4 =	vld [tilespmem:s16+$0x80]  }
0x59: {  	v5 =	vld [tilespmem:s16+$0x280]  }
0x5a: {  	v6 =	vld [tilespmem:s16+$0x100]  }
0x5b: {  	v7 =	vld [tilespmem:s16+$0x300]  }
0x5c: {  	v3 =	vmul.f32 v3, v0  }
0x5d: {  	v4 =	vmul.f32 v4, v0  }
0x5e: {  	v5 =	vmul.f32 v5, v0;
	[tilespmem:s16+$0x0] =	vst v3  }
0x5f: {  	s21 =	sand.u32 $0x7, s13;
	s18 =	simm.s32 $0x0;
	v1 =	vmul.f32 v1, v0;
	v2 =	vmul.f32 v2, v0;
	[tilespmem:s16+$0x80] =	vst v4  }
0x60: {  	s19 =	simm.s32 $0x0;
	s20 =	simm.s32 $0x0;
	s17 =	simm.s32 $0x10;
	v4 =	vmul.f32 v6, v0;
	v3 =	vmul.f32 v7, v0;
	[tilespmem:s16+$0x280] =	vst v5  }
.LBB2_7:
0x61: {  	s21 =	sshll.u32 s21, $0x4  }
0x62: {  	[tilespmem:s16+$0x100] =	vst v4;
	s18 =	sadd.s32 $0x80, s18;
	s19 =	sadd.s32 $0x1, s19;
	s22 =	smov.u32 s17  }
0x63: {  	p0 =	sne.s32 s17, $0x1670;
	s17 =	sadd.s32 $0x10, s17;
	s20 =	sadd.s32 s21, s20;
	[tilespmem:s16+$0x200] =	vst v2  }
0x64: {  	[tilespmem:s16+$0x180] =	vst v1;
	s21 =	sor.u32 $0x380, s20;
	s20 =	smov.u32 s18  }
0x65: {  	[tilespmem:s16+$0x300] =	vst v3  }
0x66: {  	v1 =	vld [tilespmem:s21+$0x0];
	_ =	sdelay $0x4  }
0x67: {  	s16 =	sand.u32 $0x70, s22;
	s22 =	sand.u32 $0xFC00, s18;
	v0 =	vmul.f32 v1, v0  }
0x68: {  	s16 =	sor.u32 s16, s22  }
0x69: {  	[tilespmem:s21+$0x0] =	vst v0  }
0x6a: {  	v1 =	vld [tilespmem:s16+$0x180]  }
0x6b: {  	v2 =	vld [tilespmem:s16+$0x200]  }
0x6c: {  	v3 =	vld [tilespmem:s16+$0x280]  }
0x6d: {  	v4 =	vld [tilespmem:s16+$0x0]  }
0x6e: {  	v0 =	vld [tilespmem:s16+$0xB400]  }
0x6f: {  	v5 =	vld [tilespmem:s16+$0x80]  }
0x70: {  	v6 =	vld [tilespmem:s16+$0x100]  }
0x71: {  	v7 =	vld [tilespmem:s16+$0x300];
	_ =	sdelay $0x1  }
.Ltmp2:
0x72: {  	v4 =	vmul.f32 v4, v0;
	v1 =	vmul.f32 v1, v0;
	(pc) =	sbr.rel @p0 .LBB2_7-.Ltmp2, $4  }
0x73: {  	v2 =	vmul.f32 v2, v0;
	v5 =	vmul.f32 v5, v0  }
0x74: {  	[tilespmem:s16+$0x0] =	vst v4;
	v4 =	vmul.f32 v6, v0;
	v6 =	vmul.f32 v3, v0  }
0x75: {  	[tilespmem:s16+$0x80] =	vst v5;
	v3 =	vmul.f32 v7, v0  }
0x76: {  	s21 =	sand.u32 $0x7, s19;
	[tilespmem:s16+$0x280] =	vst v6  }
0x77: {  	[tilespmem:s16+$0x100] =	vst v4  }
0x78: {  	s17 =	sshll.u32 s21, $0x4;
	[tilespmem:s16+$0x200] =	vst v2  }
0x79: {  	[tilespmem:s16+$0x180] =	vst v1;
	s17 =	sadd.s32 s17, s20  }
0x7a: {  	[tilespmem:s16+$0x300] =	vst v3;
	s17 =	sor.u32 $0x380, s17  }
0x7b: {  	v1 =	vld [tilespmem:s17+$0x0];
	_ =	sdelay $0x4  }
0x7c: {  	s14 =	sadd.s32 $0x1, s14;
	v0 =	vmul.f32 v1, v0  }
0x7d: {  	p0 =	sne.s32 s14, $0x8  }
.Ltmp3:
0x7e: {  	s15 =	sadd.s32 s3, s15;
	[tilespmem:s17+$0x0] =	vst v0;
	(pc) =	sbr.rel @p0 .LBB2_6-.Ltmp3, $4  }
0x7f: {  	[hbm4b:s15+s4] =	stream.linear.scatter [tilespmem:s4], [sflag:$0x1], $0xB400, $0x38;
	[tilespmem:$0x16800] =	vst v63  }
0x80: {  	_ =	swait.ge [sflag:s11], $0xB400  }
0x81: {  	[sflag:s11] =	ssyncset.done $0x0  }
0x82: {  	[sflag:s11] =	ssyncadd.s32 $0xFFFF4C00  }
0x83: {  	s12 =	sadd.s32 $0x1, s12  }
0x84: {  	p0 =	sne.s32 s12, s9  }
.Ltmp4:
0x85: {  	_ = 	snop;
	(pc) =	sbr.rel @p0 .LBB2_1-.Ltmp4, $1  }
0x86: {  	_ =	sdelay $0x3  }
0x87: {  	_ =	sfence.sel $0x180000  }
0x88: {  	[bflag:$0x0] =	sbarrier.arrive $0xFFFF  }
0x89: {  	p0 =	sne.s32 s2, $0x0;
	_ =	strace $0x90000047  }
0x8a: {  	s0 =	sadd.s32 @!p0 $0x100000, s0;
	[bflag:$0x2] =	sbarrier.arrive $0xFFFF  }
0x8b: {  	[sflag:s0] =	ssyncadd.tile.s32 @!p0 $0x1;
	_ =	shalt  }
.Lfunc_end2:
_tile_overlayer_lowered:
.L_overlay_start_2:
0x8c: {  	(tag) =	ssettag $0x2  }
0x8d: {  	s0 =	rddreg [dreg:$0x0];
	s2 =	stileid.u32  }
0x8e: {  	s1 =	rddreg [dreg:$0x1];
	p0 =	sne.s32 s2, $0x0  }
0x8f: {  	s3 =	rddreg [dreg:$0x2];
	[bflag:$0x3] =	sbarrier.arrive $0xFFFF;
	s2 =	simm.s32 @!p0 $0x1C01  }
0x90: {  	[timem:s3], [sflag:s2] =	dma.local @!p0 [hbm:s0], s1  }
0x91: {  	s0 =	simm.s32 @!p0 $0x1  }
0x92: {  	_ =	swait.ge @!p0 [sflag:s0], s1  }
0x93: {  	s1 =	ssub.s32 @!p0 $0x0, s1;
	[sflag:s0] =	ssyncset.done @!p0 $0x0  }
0x94: {  	[sflag:s0] =	ssyncadd.s32 @!p0 s1  }
0x95: {  	[bflag:$0x3] =	sbarrier.arrive $0xFFFF  }
0x96: {  	_ =	shalt  }

</sc_bundles>
